<compile_context>
chip_gen: v7x
topology: tpu7x:2x2x1
jax: 0.10.2.dev20260603
libtpu: 0.0.44.dev20260713+nightly
codegen_flags: <defaults>
</compile_context>

<pallas_src>
import dataclasses
import functools

import jax
import jax.numpy as jnp
from jax import lax
from jax.experimental import pallas as pl
from jax.experimental.pallas import tpu as pltpu
from jax.experimental.pallas import tpu_sc as plsc

_N = 2048
_P = _N * (_N - 1) // 2
_NW = 32
_PW = _P // _NW
_NBLK = 4
_BLK = _PW // _NBLK
_XPAD = _N + 64
_STAGE = _BLK + 64


def _pairs_kernel_body(x_hbm, c0_hbm, c1_hbm, x_v,
                       a0, b0, a1, b1, sem0, sem1):
    wid = lax.axis_index("s") * 2 + lax.axis_index("c")
    pltpu.sync_copy(x_hbm, x_v.at[pl.ds(0, _N)])

    p0 = wid * _PW

    def _off(i):
        return (i * (2 * _N - 1 - i)) // 2

    def _bs_body(_, lohi):
        lo, hi = lohi
        mid = (lo + hi + 1) // 2
        take = _off(mid) <= p0
        return (jnp.where(take, mid, lo), jnp.where(take, hi, mid - 1))

    i0, _ = lax.fori_loop(0, 11, _bs_body, (jnp.int32(0), jnp.int32(_N - 1)))
    j0 = i0 + 1 + (p0 - _off(i0))

    bufs = ((a0, b0), (a1, b1))
    sems = (sem0, sem1)

    def fill_block(i, j, sa, sb):
        def cond(c):
            return c[2] < _BLK

        def body(c):
            ci, cj, q = c
            l_seg = _N - cj
            m = jnp.minimum(l_seg, _BLK - q)
            a = plsc.load_gather(x_v, [jnp.full((16,), ci, jnp.int32)])

            def chunk(t, cc):
                jj, qq = cc
                b1 = x_v[pl.ds(jj, 16)]
                b2 = x_v[pl.ds(jj + 16, 16)]
                b3 = x_v[pl.ds(jj + 32, 16)]
                b4 = x_v[pl.ds(jj + 48, 16)]
                sa[pl.ds(qq, 16)] = a
                sa[pl.ds(qq + 16, 16)] = a
                sa[pl.ds(qq + 32, 16)] = a
                sa[pl.ds(qq + 48, 16)] = a
                sb[pl.ds(qq, 16)] = b1
                sb[pl.ds(qq + 16, 16)] = b2
                sb[pl.ds(qq + 32, 16)] = b3
                sb[pl.ds(qq + 48, 16)] = b4
                return (jj + 64, qq + 64)

            lax.fori_loop(0, (m + 63) // 64, chunk, (cj, q))
            done = m == l_seg
            ni = jnp.where(done, ci + 1, ci)
            nj = jnp.where(done, ci + 2, cj + m)
            return (ni, nj, q + m)

        i, j, _ = lax.while_loop(cond, body, (i, j, jnp.int32(0)))
        return i, j

    i, j = i0, j0
    base = wid * _PW
    copies = [None, None]
    for k in range(_NBLK):
        b = k % 2
        if copies[b] is not None:
            copies[b][0].wait()
            copies[b][1].wait()
        sa, sb = bufs[b]
        i, j = fill_block(i, j, sa, sb)
        dst = pl.ds(base + k * _BLK, _BLK)
        ca = pltpu.make_async_copy(sa.at[pl.ds(0, _BLK)], c0_hbm.at[dst],
                                   sems[b])
        cb = pltpu.make_async_copy(sb.at[pl.ds(0, _BLK)], c1_hbm.at[dst],
                                   sems[b])
        ca.start()
        cb.start()
        copies[b] = (ca, cb)
    copies[0][0].wait()
    copies[0][1].wait()
    copies[1][0].wait()
    copies[1][1].wait()


@jax.jit
def kernel(x):
    mesh = plsc.VectorSubcoreMesh(core_axis_name="c", subcore_axis_name="s")
    cp = pltpu.CompilerParams()
    if "needs_layout_passes" in pltpu.CompilerParams.__dataclass_fields__:
        cp = dataclasses.replace(cp, needs_layout_passes=False)
    run = pl.kernel(
        _pairs_kernel_body,
        out_type=(jax.ShapeDtypeStruct((_P,), jnp.float32),
                  jax.ShapeDtypeStruct((_P,), jnp.float32)),
        mesh=mesh,
        compiler_params=cp,
        scratch_types=[
            pltpu.VMEM((_XPAD,), jnp.float32),
            pltpu.VMEM((_STAGE,), jnp.float32),
            pltpu.VMEM((_STAGE,), jnp.float32),
            pltpu.VMEM((_STAGE,), jnp.float32),
            pltpu.VMEM((_STAGE,), jnp.float32),
            pltpu.SemaphoreType.DMA,
            pltpu.SemaphoreType.DMA,
        ],
    )
    c0, c1 = run(x)
    return jnp.stack([c0, c1], axis=-1)

# --- scband reference (transcript-rebuilt; emitter-appended) ---
"""Pipeline reference for scband-my-model-61933428410228 (READ-ONLY COPY).

The authoritative reference and input builder live on the scoring server;
editing this copy changes nothing except your own understanding.
"""

import jax, jax.numpy as jnp
import numpy as np

N = 2048
R = 2

def setup_inputs(seed: int = 0) -> dict:
    key = jax.random.key(seed)
    x = jax.random.normal(key, (N,), dtype=jnp.float32)
    return {"x": x}

def reference(x):
    # torch.combinations(x, r=2): all pairs (x[i], x[j]) with i < j,
    # in lexicographic order. Equivalent to strict upper-triangular index pairs.
    n = x.shape[0]
    ii, jj = jnp.triu_indices(n, k=1)
    # gather both elements of each combination and stack into [num_pairs, 2]
    return jnp.stack([jnp.take(x, ii), jnp.take(x, jj)], axis=-1)

if __name__ == "__main__":
    import jax
    _d = setup_inputs()
    print(jax.jit(kernel)(*tuple(_d.values())))

</pallas_src>

<mosaic_0001>
#map = affine_map<(d0, d1) -> (0)>
module attributes {stable_mosaic.version = 14 : i64} {
  func.func @_pairs_kernel_body(%arg0: i32, %arg1: i32, %arg2: memref<2048xf32, #tpu.memory_space<hbm>>, %arg3: memref<2096128xf32, #tpu.memory_space<hbm>>, %arg4: memref<2096128xf32, #tpu.memory_space<hbm>>, %arg5: memref<2112xf32, #tpu.memory_space<vmem>>, %arg6: memref<16440xf32, #tpu.memory_space<vmem>>, %arg7: memref<16440xf32, #tpu.memory_space<vmem>>, %arg8: memref<16440xf32, #tpu.memory_space<vmem>>, %arg9: memref<16440xf32, #tpu.memory_space<vmem>>, %arg10: memref<!tpu.dma_semaphore, #tpu.memory_space<semaphore_mem>>, %arg11: memref<!tpu.dma_semaphore, #tpu.memory_space<semaphore_mem>>) attributes {dimension_semantics = [#tpu.dimension_semantics<core_parallel>, #tpu.dimension_semantics<subcore_parallel>], iteration_bounds = array<i64: 2, 16>, scalar_prefetch = 0 : i64, scratch_operands = 7 : i64, tpu.core_type = #tpu.core_type<sc_vector_subcore>, window_params = [{transform_indices = #map}, {transform_indices = #map}, {transform_indices = #map}]} {
    %mul3A = arith.constant 2 : i32
    %mul3A_0 = arith.muli %arg1, %mul3A : i32
    %add3A = arith.addi %mul3A_0, %arg0 : i32
    "tpu.region"() ({
      %run_scoped3A = tpu.sem_alloc : memref<!tpu.dma_semaphore, #tpu.memory_space<semaphore_mem>>
      %dma_start3A_144 = arith.constant 0 : i32
      %dma_start3A_145 = tpu.memref_slice %arg5[%dma_start3A_144] : memref<2112xf32, #tpu.memory_space<vmem>> -> memref<2048xf32, #tpu.memory_space<vmem>>
      %dma_start3A_146 = arith.constant 0 : i32
      %dma_start3A_147 = tpu.memref_slice %arg5[%dma_start3A_146] : memref<2112xf32, #tpu.memory_space<vmem>> -> memref<2048xf32, #tpu.memory_space<vmem>>
      tpu.enqueue_dma source(%arg2 : memref<2048xf32, #tpu.memory_space<hbm>>) target(%dma_start3A_147 : memref<2048xf32, #tpu.memory_space<vmem>>) target_semaphore(%run_scoped3A : memref<!tpu.dma_semaphore, #tpu.memory_space<semaphore_mem>>)
      %dma_wait3A_148 = arith.constant 0 : i32
      %dma_wait3A_149 = tpu.memref_slice %arg5[%dma_wait3A_148] : memref<2112xf32, #tpu.memory_space<vmem>> -> memref<2048xf32, #tpu.memory_space<vmem>>
      %dma_wait3A_150 = arith.constant 0 : i32
      %dma_wait3A_151 = tpu.memref_slice %arg5[%dma_wait3A_150] : memref<2112xf32, #tpu.memory_space<vmem>> -> memref<2048xf32, #tpu.memory_space<vmem>>
      tpu.wait_dma2 semaphore(%run_scoped3A : memref<!tpu.dma_semaphore, #tpu.memory_space<semaphore_mem>>) src(%arg2 : memref<2048xf32, #tpu.memory_space<hbm>>) dst(%dma_wait3A_151 : memref<2048xf32, #tpu.memory_space<vmem>>)
      tpu.yield
    }) : () -> ()
    %mul3A_1 = arith.constant 65504 : i32
    %mul3A_2 = arith.muli %add3A, %mul3A_1 : i32
    %scan3A = arith.constant 0 : i32
    %scan3A_3 = arith.constant 2047 : i32
    %scan3A_4 = arith.constant 0 : i32
    %scan3A_5 = arith.constant 11 : i32
    %scan3A_6 = arith.addi %scan3A_4, %scan3A_5 : i32
    %scan3A_7 = arith.constant 1 : i32
    %scan3A_8:2 = scf.for %scan3A_144 = %scan3A_4 to %scan3A_6 step %scan3A_7 iter_args(%scan3A_145 = %scan3A, %scan3A_146 = %scan3A_3) -> (i32, i32)  : i32 {
      %add3A_147 = arith.addi %scan3A_145, %scan3A_146 : i32
      %add3A_148 = arith.constant 1 : i32
      %add3A_149 = arith.addi %add3A_147, %add3A_148 : i32
      %jit3A_150 = arith.constant 2 : i32
      %div3A_151 = arith.divsi %add3A_149, %jit3A_150 : i32
      %sign3A_152 = arith.constant 0 : i32
      %sign3A_153 = arith.cmpi sgt, %add3A_149, %sign3A_152 : i32
      %sign3A_154 = arith.extui %sign3A_153 : i1 to i32
      %sign3A_155 = arith.constant 0 : i32
      %sign3A_156 = arith.cmpi slt, %add3A_149, %sign3A_155 : i32
      %sign3A_157 = arith.extui %sign3A_156 : i1 to i32
      %sign3A_158 = arith.subi %sign3A_154, %sign3A_157 : i32
      %sign3A_159 = arith.constant 0 : i32
      %sign3A_160 = arith.cmpi sgt, %jit3A_150, %sign3A_159 : i32
      %sign3A_161 = arith.extui %sign3A_160 : i1 to i32
      %sign3A_162 = arith.constant 0 : i32
      %sign3A_163 = arith.cmpi slt, %jit3A_150, %sign3A_162 : i32
      %sign3A_164 = arith.extui %sign3A_163 : i1 to i32
      %sign3A_165 = arith.subi %sign3A_161, %sign3A_164 : i32
      %ne3A_166 = arith.cmpi ne, %sign3A_158, %sign3A_165 : i32
      %rem3A_167 = arith.remsi %add3A_149, %jit3A_150 : i32
      %ne3A_168 = arith.constant 0 : i32
      %ne3A_169 = arith.cmpi ne, %rem3A_167, %ne3A_168 : i32
      %and3A_170 = arith.andi %ne3A_166, %ne3A_169 : i1
      %sub3A_171 = arith.constant 1 : i32
      %sub3A_172 = arith.subi %div3A_151, %sub3A_171 : i32
      %select_n3A_173 = arith.select %and3A_170, %sub3A_172, %div3A_151 : i32
      %sub3A_174 = arith.constant 4095 : i32
      %sub3A_175 = arith.subi %sub3A_174, %select_n3A_173 : i32
      %mul3A_176 = arith.muli %select_n3A_173, %sub3A_175 : i32
      %jit3A_177 = arith.constant 2 : i32
      %div3A_178 = arith.divsi %mul3A_176, %jit3A_177 : i32
      %sign3A_179 = arith.constant 0 : i32
      %sign3A_180 = arith.cmpi sgt, %mul3A_176, %sign3A_179 : i32
      %sign3A_181 = arith.extui %sign3A_180 : i1 to i32
      %sign3A_182 = arith.constant 0 : i32
      %sign3A_183 = arith.cmpi slt, %mul3A_176, %sign3A_182 : i32
      %sign3A_184 = arith.extui %sign3A_183 : i1 to i32
      %sign3A_185 = arith.subi %sign3A_181, %sign3A_184 : i32
      %sign3A_186 = arith.constant 0 : i32
      %sign3A_187 = arith.cmpi sgt, %jit3A_177, %sign3A_186 : i32
      %sign3A_188 = arith.extui %sign3A_187 : i1 to i32
      %sign3A_189 = arith.constant 0 : i32
      %sign3A_190 = arith.cmpi slt, %jit3A_177, %sign3A_189 : i32
      %sign3A_191 = arith.extui %sign3A_190 : i1 to i32
      %sign3A_192 = arith.subi %sign3A_188, %sign3A_191 : i32
      %ne3A_193 = arith.cmpi ne, %sign3A_185, %sign3A_192 : i32
      %rem3A_194 = arith.remsi %mul3A_176, %jit3A_177 : i32
      %ne3A_195 = arith.constant 0 : i32
      %ne3A_196 = arith.cmpi ne, %rem3A_194, %ne3A_195 : i32
      %and3A_197 = arith.andi %ne3A_193, %ne3A_196 : i1
      %sub3A_198 = arith.constant 1 : i32
      %sub3A_199 = arith.subi %div3A_178, %sub3A_198 : i32
      %select_n3A_200 = arith.select %and3A_197, %sub3A_199, %div3A_178 : i32
      %le3A = arith.cmpi sle, %select_n3A_200, %mul3A_2 : i32
      %select_n3A_201 = arith.select %le3A, %select_n3A_173, %scan3A_145 : i32
      %sub3A_202 = arith.constant 1 : i32
      %sub3A_203 = arith.subi %select_n3A_173, %sub3A_202 : i32
      %select_n3A_204 = arith.select %le3A, %scan3A_146, %sub3A_203 : i32
      scf.yield %select_n3A_201, %select_n3A_204 : i32, i32
    }
    %scan3A_9 = arith.constant 11 : i32
    %add3A_10 = arith.constant 1 : i32
    %add3A_11 = arith.addi %scan3A_8#0, %add3A_10 : i32
    %sub3A = arith.constant 4095 : i32
    %sub3A_12 = arith.subi %sub3A, %scan3A_8#0 : i32
    %mul3A_13 = arith.muli %scan3A_8#0, %sub3A_12 : i32
    %jit3A = arith.constant 2 : i32
    %div3A = arith.divsi %mul3A_13, %jit3A : i32
    %sign3A = arith.constant 0 : i32
    %sign3A_14 = arith.cmpi sgt, %mul3A_13, %sign3A : i32
    %sign3A_15 = arith.extui %sign3A_14 : i1 to i32
    %sign3A_16 = arith.constant 0 : i32
    %sign3A_17 = arith.cmpi slt, %mul3A_13, %sign3A_16 : i32
    %sign3A_18 = arith.extui %sign3A_17 : i1 to i32
    %sign3A_19 = arith.subi %sign3A_15, %sign3A_18 : i32
    %sign3A_20 = arith.constant 0 : i32
    %sign3A_21 = arith.cmpi sgt, %jit3A, %sign3A_20 : i32
    %sign3A_22 = arith.extui %sign3A_21 : i1 to i32
    %sign3A_23 = arith.constant 0 : i32
    %sign3A_24 = arith.cmpi slt, %jit3A, %sign3A_23 : i32
    %sign3A_25 = arith.extui %sign3A_24 : i1 to i32
    %sign3A_26 = arith.subi %sign3A_22, %sign3A_25 : i32
    %ne3A = arith.cmpi ne, %sign3A_19, %sign3A_26 : i32
    %rem3A = arith.remsi %mul3A_13, %jit3A : i32
    %ne3A_27 = arith.constant 0 : i32
    %ne3A_28 = arith.cmpi ne, %rem3A, %ne3A_27 : i32
    %and3A = arith.andi %ne3A, %ne3A_28 : i1
    %sub3A_29 = arith.constant 1 : i32
    %sub3A_30 = arith.subi %div3A, %sub3A_29 : i32
    %select_n3A = arith.select %and3A, %sub3A_30, %div3A : i32
    %sub3A_31 = arith.subi %mul3A_2, %select_n3A : i32
    %add3A_32 = arith.addi %add3A_11, %sub3A_31 : i32
    %mul3A_33 = arith.constant 65504 : i32
    %mul3A_34 = arith.muli %add3A, %mul3A_33 : i32
    %while3A = arith.constant 0 : i32
    %while3A_35:3 = scf.while (%while3A_144 = %scan3A_8#0, %while3A_145 = %add3A_32, %while3A_146 = %while3A) : (i32, i32, i32) -> (i32, i32, i32) {
      %lt3A = arith.constant 16376 : i32
      %lt3A_147 = arith.cmpi slt, %while3A_146, %lt3A : i32
      scf.condition(%lt3A_147) %while3A_144, %while3A_145, %while3A_146 : i32, i32, i32
    } do {
    ^bb0(%while3A_144: i32, %while3A_145: i32, %while3A_146: i32):
      %sub3A_147 = arith.constant 2048 : i32
      %sub3A_148 = arith.subi %sub3A_147, %while3A_145 : i32
      %sub3A_149 = arith.constant 16376 : i32
      %sub3A_150 = arith.subi %sub3A_149, %while3A_146 : i32
      %min3A = arith.minsi %sub3A_148, %sub3A_150 : i32
      %broadcast_in_dim3A = vector.broadcast %while3A_144 : i32 to vector<16xi32>
      %gather3A = tpu.vector_load_idx %arg5[%broadcast_in_dim3A] : memref<2112xf32, #tpu.memory_space<vmem>>[vector<16xi32>], vector<16xf32>,
      %add3A_151 = arith.constant 63 : i32
      %add3A_152 = arith.addi %min3A, %add3A_151 : i32
      %jit3A_153 = arith.constant 64 : i32
      %div3A_154 = arith.divsi %add3A_152, %jit3A_153 : i32
      %sign3A_155 = arith.constant 0 : i32
      %sign3A_156 = arith.cmpi sgt, %add3A_152, %sign3A_155 : i32
      %sign3A_157 = arith.extui %sign3A_156 : i1 to i32
      %sign3A_158 = arith.constant 0 : i32
      %sign3A_159 = arith.cmpi slt, %add3A_152, %sign3A_158 : i32
      %sign3A_160 = arith.extui %sign3A_159 : i1 to i32
      %sign3A_161 = arith.subi %sign3A_157, %sign3A_160 : i32
      %sign3A_162 = arith.constant 0 : i32
      %sign3A_163 = arith.cmpi sgt, %jit3A_153, %sign3A_162 : i32
      %sign3A_164 = arith.extui %sign3A_163 : i1 to i32
      %sign3A_165 = arith.constant 0 : i32
      %sign3A_166 = arith.cmpi slt, %jit3A_153, %sign3A_165 : i32
      %sign3A_167 = arith.extui %sign3A_166 : i1 to i32
      %sign3A_168 = arith.subi %sign3A_164, %sign3A_167 : i32
      %ne3A_169 = arith.cmpi ne, %sign3A_161, %sign3A_168 : i32
      %rem3A_170 = arith.remsi %add3A_152, %jit3A_153 : i32
      %ne3A_171 = arith.constant 0 : i32
      %ne3A_172 = arith.cmpi ne, %rem3A_170, %ne3A_171 : i32
      %and3A_173 = arith.andi %ne3A_169, %ne3A_172 : i1
      %sub3A_174 = arith.constant 1 : i32
      %sub3A_175 = arith.subi %div3A_154, %sub3A_174 : i32
      %select_n3A_176 = arith.select %and3A_173, %sub3A_175, %div3A_154 : i32
      %while3A_177 = arith.constant 0 : i32
      %while3A_178 = arith.subi %select_n3A_176, %while3A_177 : i32
      %while3A_179 = arith.addi %while3A_177, %while3A_178 : i32
      %while3A_180 = arith.constant 1 : i32
      %while3A_181 = arith.divsi %while3A_178, %while3A_180 : i32
      %while3A_182 = arith.muli %while3A_181, %while3A_180 : i32
      %while3A_183 = arith.addi %while3A_177, %while3A_182 : i32
      %while3A_184 = arith.constant 1 : i32
      %while3A_185:2 = scf.for %while3A_196 = %while3A_177 to %while3A_183 step %while3A_184 iter_args(%while3A_197 = %while3A_145, %while3A_198 = %while3A_146) -> (i32, i32)  : i32 {
        %get3A = arith.index_cast %while3A_197 : i32 to index
        %get3A_199 = tpu.vector_load %arg5[%get3A] {strides = array<i32>} : memref<2112xf32, #tpu.memory_space<vmem>>, vector<16xf32>,
        %add3A_200 = arith.constant 16 : i32
        %add3A_201 = arith.addi %while3A_197, %add3A_200 : i32
        %get3A_202 = arith.index_cast %add3A_201 : i32 to index
        %get3A_203 = tpu.vector_load %arg5[%get3A_202] {strides = array<i32>} : memref<2112xf32, #tpu.memory_space<vmem>>, vector<16xf32>,
        %add3A_204 = arith.constant 32 : i32
        %add3A_205 = arith.addi %while3A_197, %add3A_204 : i32
        %get3A_206 = arith.index_cast %add3A_205 : i32 to index
        %get3A_207 = tpu.vector_load %arg5[%get3A_206] {strides = array<i32>} : memref<2112xf32, #tpu.memory_space<vmem>>, vector<16xf32>,
        %add3A_208 = arith.constant 48 : i32
        %add3A_209 = arith.addi %while3A_197, %add3A_208 : i32
        %get3A_210 = arith.index_cast %add3A_209 : i32 to index
        %get3A_211 = tpu.vector_load %arg5[%get3A_210] {strides = array<i32>} : memref<2112xf32, #tpu.memory_space<vmem>>, vector<16xf32>,
        %swap3A = arith.index_cast %while3A_198 : i32 to index
        %swap3A_212 = tpu.vector_load %arg6[%swap3A] {strides = array<i32>} : memref<16440xf32, #tpu.memory_space<vmem>>, vector<16xf32>,
        tpu.vector_store %arg6[%swap3A], %gather3A {strides = array<i32>} : memref<16440xf32, #tpu.memory_space<vmem>>, vector<16xf32>,
        %add3A_213 = arith.constant 16 : i32
        %add3A_214 = arith.addi %while3A_198, %add3A_213 : i32
        %swap3A_215 = arith.index_cast %add3A_214 : i32 to index
        %swap3A_216 = tpu.vector_load %arg6[%swap3A_215] {strides = array<i32>} : memref<16440xf32, #tpu.memory_space<vmem>>, vector<16xf32>,
        tpu.vector_store %arg6[%swap3A_215], %gather3A {strides = array<i32>} : memref<16440xf32, #tpu.memory_space<vmem>>, vector<16xf32>,
        %add3A_217 = arith.constant 32 : i32
        %add3A_218 = arith.addi %while3A_198, %add3A_217 : i32
        %swap3A_219 = arith.index_cast %add3A_218 : i32 to index
        %swap3A_220 = tpu.vector_load %arg6[%swap3A_219] {strides = array<i32>} : memref<16440xf32, #tpu.memory_space<vmem>>, vector<16xf32>,
        tpu.vector_store %arg6[%swap3A_219], %gather3A {strides = array<i32>} : memref<16440xf32, #tpu.memory_space<vmem>>, vector<16xf32>,
        %add3A_221 = arith.constant 48 : i32
        %add3A_222 = arith.addi %while3A_198, %add3A_221 : i32
        %swap3A_223 = arith.index_cast %add3A_222 : i32 to index
        %swap3A_224 = tpu.vector_load %arg6[%swap3A_223] {strides = array<i32>} : memref<16440xf32, #tpu.memory_space<vmem>>, vector<16xf32>,
        tpu.vector_store %arg6[%swap3A_223], %gather3A {strides = array<i32>} : memref<16440xf32, #tpu.memory_space<vmem>>, vector<16xf32>,
        %swap3A_225 = arith.index_cast %while3A_198 : i32 to index
        %swap3A_226 = tpu.vector_load %arg7[%swap3A_225] {strides = array<i32>} : memref<16440xf32, #tpu.memory_space<vmem>>, vector<16xf32>,
        tpu.vector_store %arg7[%swap3A_225], %get3A_199 {strides = array<i32>} : memref<16440xf32, #tpu.memory_space<vmem>>, vector<16xf32>,
        %add3A_227 = arith.constant 16 : i32
        %add3A_228 = arith.addi %while3A_198, %add3A_227 : i32
        %swap3A_229 = arith.index_cast %add3A_228 : i32 to index
        %swap3A_230 = tpu.vector_load %arg7[%swap3A_229] {strides = array<i32>} : memref<16440xf32, #tpu.memory_space<vmem>>, vector<16xf32>,
        tpu.vector_store %arg7[%swap3A_229], %get3A_203 {strides = array<i32>} : memref<16440xf32, #tpu.memory_space<vmem>>, vector<16xf32>,
        %add3A_231 = arith.constant 32 : i32
        %add3A_232 = arith.addi %while3A_198, %add3A_231 : i32
        %swap3A_233 = arith.index_cast %add3A_232 : i32 to index
        %swap3A_234 = tpu.vector_load %arg7[%swap3A_233] {strides = array<i32>} : memref<16440xf32, #tpu.memory_space<vmem>>, vector<16xf32>,
        tpu.vector_store %arg7[%swap3A_233], %get3A_207 {strides = array<i32>} : memref<16440xf32, #tpu.memory_space<vmem>>, vector<16xf32>,
        %add3A_235 = arith.constant 48 : i32
        %add3A_236 = arith.addi %while3A_198, %add3A_235 : i32
        %swap3A_237 = arith.index_cast %add3A_236 : i32 to index
        %swap3A_238 = tpu.vector_load %arg7[%swap3A_237] {strides = array<i32>} : memref<16440xf32, #tpu.memory_space<vmem>>, vector<16xf32>,
        tpu.vector_store %arg7[%swap3A_237], %get3A_211 {strides = array<i32>} : memref<16440xf32, #tpu.memory_space<vmem>>, vector<16xf32>,
        %add3A_239 = arith.constant 64 : i32
        %add3A_240 = arith.addi %while3A_197, %add3A_239 : i32
        %add3A_241 = arith.constant 64 : i32
        %add3A_242 = arith.addi %while3A_198, %add3A_241 : i32
        scf.yield %add3A_240, %add3A_242 : i32, i32
      }
      %while3A_186 = arith.constant 1 : i32
      %while3A_187:2 = scf.for %while3A_196 = %while3A_183 to %while3A_179 step %while3A_186 iter_args(%while3A_197 = %while3A_185#0, %while3A_198 = %while3A_185#1) -> (i32, i32)  : i32 {
        %get3A = arith.index_cast %while3A_197 : i32 to index
        %get3A_199 = tpu.vector_load %arg5[%get3A] {strides = array<i32>} : memref<2112xf32, #tpu.memory_space<vmem>>, vector<16xf32>,
        %add3A_200 = arith.constant 16 : i32
        %add3A_201 = arith.addi %while3A_197, %add3A_200 : i32
        %get3A_202 = arith.index_cast %add3A_201 : i32 to index
        %get3A_203 = tpu.vector_load %arg5[%get3A_202] {strides = array<i32>} : memref<2112xf32, #tpu.memory_space<vmem>>, vector<16xf32>,
        %add3A_204 = arith.constant 32 : i32
        %add3A_205 = arith.addi %while3A_197, %add3A_204 : i32
        %get3A_206 = arith.index_cast %add3A_205 : i32 to index
        %get3A_207 = tpu.vector_load %arg5[%get3A_206] {strides = array<i32>} : memref<2112xf32, #tpu.memory_space<vmem>>, vector<16xf32>,
        %add3A_208 = arith.constant 48 : i32
        %add3A_209 = arith.addi %while3A_197, %add3A_208 : i32
        %get3A_210 = arith.index_cast %add3A_209 : i32 to index
        %get3A_211 = tpu.vector_load %arg5[%get3A_210] {strides = array<i32>} : memref<2112xf32, #tpu.memory_space<vmem>>, vector<16xf32>,
        %swap3A = arith.index_cast %while3A_198 : i32 to index
        %swap3A_212 = tpu.vector_load %arg6[%swap3A] {strides = array<i32>} : memref<16440xf32, #tpu.memory_space<vmem>>, vector<16xf32>,
        tpu.vector_store %arg6[%swap3A], %gather3A {strides = array<i32>} : memref<16440xf32, #tpu.memory_space<vmem>>, vector<16xf32>,
        %add3A_213 = arith.constant 16 : i32
        %add3A_214 = arith.addi %while3A_198, %add3A_213 : i32
        %swap3A_215 = arith.index_cast %add3A_214 : i32 to index
        %swap3A_216 = tpu.vector_load %arg6[%swap3A_215] {strides = array<i32>} : memref<16440xf32, #tpu.memory_space<vmem>>, vector<16xf32>,
        tpu.vector_store %arg6[%swap3A_215], %gather3A {strides = array<i32>} : memref<16440xf32, #tpu.memory_space<vmem>>, vector<16xf32>,
        %add3A_217 = arith.constant 32 : i32
        %add3A_218 = arith.addi %while3A_198, %add3A_217 : i32
        %swap3A_219 = arith.index_cast %add3A_218 : i32 to index
        %swap3A_220 = tpu.vector_load %arg6[%swap3A_219] {strides = array<i32>} : memref<16440xf32, #tpu.memory_space<vmem>>, vector<16xf32>,
        tpu.vector_store %arg6[%swap3A_219], %gather3A {strides = array<i32>} : memref<16440xf32, #tpu.memory_space<vmem>>, vector<16xf32>,
        %add3A_221 = arith.constant 48 : i32
        %add3A_222 = arith.addi %while3A_198, %add3A_221 : i32
        %swap3A_223 = arith.index_cast %add3A_222 : i32 to index
        %swap3A_224 = tpu.vector_load %arg6[%swap3A_223] {strides = array<i32>} : memref<16440xf32, #tpu.memory_space<vmem>>, vector<16xf32>,
        tpu.vector_store %arg6[%swap3A_223], %gather3A {strides = array<i32>} : memref<16440xf32, #tpu.memory_space<vmem>>, vector<16xf32>,
        %swap3A_225 = arith.index_cast %while3A_198 : i32 to index
        %swap3A_226 = tpu.vector_load %arg7[%swap3A_225] {strides = array<i32>} : memref<16440xf32, #tpu.memory_space<vmem>>, vector<16xf32>,
        tpu.vector_store %arg7[%swap3A_225], %get3A_199 {strides = array<i32>} : memref<16440xf32, #tpu.memory_space<vmem>>, vector<16xf32>,
        %add3A_227 = arith.constant 16 : i32
        %add3A_228 = arith.addi %while3A_198, %add3A_227 : i32
        %swap3A_229 = arith.index_cast %add3A_228 : i32 to index
        %swap3A_230 = tpu.vector_load %arg7[%swap3A_229] {strides = array<i32>} : memref<16440xf32, #tpu.memory_space<vmem>>, vector<16xf32>,
        tpu.vector_store %arg7[%swap3A_229], %get3A_203 {strides = array<i32>} : memref<16440xf32, #tpu.memory_space<vmem>>, vector<16xf32>,
        %add3A_231 = arith.constant 32 : i32
        %add3A_232 = arith.addi %while3A_198, %add3A_231 : i32
        %swap3A_233 = arith.index_cast %add3A_232 : i32 to index
        %swap3A_234 = tpu.vector_load %arg7[%swap3A_233] {strides = array<i32>} : memref<16440xf32, #tpu.memory_space<vmem>>, vector<16xf32>,
        tpu.vector_store %arg7[%swap3A_233], %get3A_207 {strides = array<i32>} : memref<16440xf32, #tpu.memory_space<vmem>>, vector<16xf32>,
        %add3A_235 = arith.constant 48 : i32
        %add3A_236 = arith.addi %while3A_198, %add3A_235 : i32
        %swap3A_237 = arith.index_cast %add3A_236 : i32 to index
        %swap3A_238 = tpu.vector_load %arg7[%swap3A_237] {strides = array<i32>} : memref<16440xf32, #tpu.memory_space<vmem>>, vector<16xf32>,
        tpu.vector_store %arg7[%swap3A_237], %get3A_211 {strides = array<i32>} : memref<16440xf32, #tpu.memory_space<vmem>>, vector<16xf32>,
        %add3A_239 = arith.constant 64 : i32
        %add3A_240 = arith.addi %while3A_197, %add3A_239 : i32
        %add3A_241 = arith.constant 64 : i32
        %add3A_242 = arith.addi %while3A_198, %add3A_241 : i32
        scf.yield %add3A_240, %add3A_242 : i32, i32
      }
      %eq3A = arith.cmpi eq, %min3A, %sub3A_148 : i32
      %add3A_188 = arith.constant 1 : i32
      %add3A_189 = arith.addi %while3A_144, %add3A_188 : i32
      %select_n3A_190 = arith.select %eq3A, %add3A_189, %while3A_144 : i32
      %add3A_191 = arith.constant 2 : i32
      %add3A_192 = arith.addi %while3A_144, %add3A_191 : i32
      %add3A_193 = arith.addi %while3A_145, %min3A : i32
      %select_n3A_194 = arith.select %eq3A, %add3A_192, %add3A_193 : i32
      %add3A_195 = arith.addi %while3A_146, %min3A : i32
      scf.yield %select_n3A_190, %select_n3A_194, %add3A_195 : i32, i32, i32
    }
    %add3A_36 = arith.constant 0 : i32
    %add3A_37 = arith.addi %mul3A_34, %add3A_36 : i32
    %dma_start3A = arith.constant 0 : i32
    %dma_start3A_38 = tpu.memref_slice %arg6[%dma_start3A] : memref<16440xf32, #tpu.memory_space<vmem>> -> memref<16376xf32, #tpu.memory_space<vmem>>
    %dma_start3A_39 = tpu.memref_slice %arg3[%add3A_37] : memref<2096128xf32, #tpu.memory_space<hbm>> -> memref<16376xf32, #tpu.memory_space<hbm>>
    %dma_start3A_40 = tpu.memref_slice %arg3[%add3A_37] : memref<2096128xf32, #tpu.memory_space<hbm>> -> memref<16376xf32, #tpu.memory_space<hbm>>
    %dma_start3A_41 = arith.constant 0 : i32
    %dma_start3A_42 = tpu.memref_slice %arg6[%dma_start3A_41] : memref<16440xf32, #tpu.memory_space<vmem>> -> memref<16376xf32, #tpu.memory_space<vmem>>
    tpu.enqueue_dma source(%dma_start3A_42 : memref<16376xf32, #tpu.memory_space<vmem>>) target(%dma_start3A_40 : memref<16376xf32, #tpu.memory_space<hbm>>) target_semaphore(%arg10 : memref<!tpu.dma_semaphore, #tpu.memory_space<semaphore_mem>>)
    %dma_start3A_43 = arith.constant 0 : i32
    %dma_start3A_44 = tpu.memref_slice %arg7[%dma_start3A_43] : memref<16440xf32, #tpu.memory_space<vmem>> -> memref<16376xf32, #tpu.memory_space<vmem>>
    %dma_start3A_45 = tpu.memref_slice %arg4[%add3A_37] : memref<2096128xf32, #tpu.memory_space<hbm>> -> memref<16376xf32, #tpu.memory_space<hbm>>
    %dma_start3A_46 = tpu.memref_slice %arg4[%add3A_37] : memref<2096128xf32, #tpu.memory_space<hbm>> -> memref<16376xf32, #tpu.memory_space<hbm>>
    %dma_start3A_47 = arith.constant 0 : i32
    %dma_start3A_48 = tpu.memref_slice %arg7[%dma_start3A_47] : memref<16440xf32, #tpu.memory_space<vmem>> -> memref<16376xf32, #tpu.memory_space<vmem>>
    tpu.enqueue_dma source(%dma_start3A_48 : memref<16376xf32, #tpu.memory_space<vmem>>) target(%dma_start3A_46 : memref<16376xf32, #tpu.memory_space<hbm>>) target_semaphore(%arg10 : memref<!tpu.dma_semaphore, #tpu.memory_space<semaphore_mem>>)
    %while3A_49 = arith.constant 0 : i32
    %while3A_50:3 = scf.while (%while3A_144 = %while3A_35#0, %while3A_145 = %while3A_35#1, %while3A_146 = %while3A_49) : (i32, i32, i32) -> (i32, i32, i32) {
      %lt3A = arith.constant 16376 : i32
      %lt3A_147 = arith.cmpi slt, %while3A_146, %lt3A : i32
      scf.condition(%lt3A_147) %while3A_144, %while3A_145, %while3A_146 : i32, i32, i32
    } do {
    ^bb0(%while3A_144: i32, %while3A_145: i32, %while3A_146: i32):
      %sub3A_147 = arith.constant 2048 : i32
      %sub3A_148 = arith.subi %sub3A_147, %while3A_145 : i32
      %sub3A_149 = arith.constant 16376 : i32
      %sub3A_150 = arith.subi %sub3A_149, %while3A_146 : i32
      %min3A = arith.minsi %sub3A_148, %sub3A_150 : i32
      %broadcast_in_dim3A = vector.broadcast %while3A_144 : i32 to vector<16xi32>
      %gather3A = tpu.vector_load_idx %arg5[%broadcast_in_dim3A] : memref<2112xf32, #tpu.memory_space<vmem>>[vector<16xi32>], vector<16xf32>,
      %add3A_151 = arith.constant 63 : i32
      %add3A_152 = arith.addi %min3A, %add3A_151 : i32
      %jit3A_153 = arith.constant 64 : i32
      %div3A_154 = arith.divsi %add3A_152, %jit3A_153 : i32
      %sign3A_155 = arith.constant 0 : i32
      %sign3A_156 = arith.cmpi sgt, %add3A_152, %sign3A_155 : i32
      %sign3A_157 = arith.extui %sign3A_156 : i1 to i32
      %sign3A_158 = arith.constant 0 : i32
      %sign3A_159 = arith.cmpi slt, %add3A_152, %sign3A_158 : i32
      %sign3A_160 = arith.extui %sign3A_159 : i1 to i32
      %sign3A_161 = arith.subi %sign3A_157, %sign3A_160 : i32
      %sign3A_162 = arith.constant 0 : i32
      %sign3A_163 = arith.cmpi sgt, %jit3A_153, %sign3A_162 : i32
      %sign3A_164 = arith.extui %sign3A_163 : i1 to i32
      %sign3A_165 = arith.constant 0 : i32
      %sign3A_166 = arith.cmpi slt, %jit3A_153, %sign3A_165 : i32
      %sign3A_167 = arith.extui %sign3A_166 : i1 to i32
      %sign3A_168 = arith.subi %sign3A_164, %sign3A_167 : i32
      %ne3A_169 = arith.cmpi ne, %sign3A_161, %sign3A_168 : i32
      %rem3A_170 = arith.remsi %add3A_152, %jit3A_153 : i32
      %ne3A_171 = arith.constant 0 : i32
      %ne3A_172 = arith.cmpi ne, %rem3A_170, %ne3A_171 : i32
      %and3A_173 = arith.andi %ne3A_169, %ne3A_172 : i1
      %sub3A_174 = arith.constant 1 : i32
      %sub3A_175 = arith.subi %div3A_154, %sub3A_174 : i32
      %select_n3A_176 = arith.select %and3A_173, %sub3A_175, %div3A_154 : i32
      %while3A_177 = arith.constant 0 : i32
      %while3A_178 = arith.subi %select_n3A_176, %while3A_177 : i32
      %while3A_179 = arith.addi %while3A_177, %while3A_178 : i32
      %while3A_180 = arith.constant 1 : i32
      %while3A_181 = arith.divsi %while3A_178, %while3A_180 : i32
      %while3A_182 = arith.muli %while3A_181, %while3A_180 : i32
      %while3A_183 = arith.addi %while3A_177, %while3A_182 : i32
      %while3A_184 = arith.constant 1 : i32
      %while3A_185:2 = scf.for %while3A_196 = %while3A_177 to %while3A_183 step %while3A_184 iter_args(%while3A_197 = %while3A_145, %while3A_198 = %while3A_146) -> (i32, i32)  : i32 {
        %get3A = arith.index_cast %while3A_197 : i32 to index
        %get3A_199 = tpu.vector_load %arg5[%get3A] {strides = array<i32>} : memref<2112xf32, #tpu.memory_space<vmem>>, vector<16xf32>,
        %add3A_200 = arith.constant 16 : i32
        %add3A_201 = arith.addi %while3A_197, %add3A_200 : i32
        %get3A_202 = arith.index_cast %add3A_201 : i32 to index
        %get3A_203 = tpu.vector_load %arg5[%get3A_202] {strides = array<i32>} : memref<2112xf32, #tpu.memory_space<vmem>>, vector<16xf32>,
        %add3A_204 = arith.constant 32 : i32
        %add3A_205 = arith.addi %while3A_197, %add3A_204 : i32
        %get3A_206 = arith.index_cast %add3A_205 : i32 to index
        %get3A_207 = tpu.vector_load %arg5[%get3A_206] {strides = array<i32>} : memref<2112xf32, #tpu.memory_space<vmem>>, vector<16xf32>,
        %add3A_208 = arith.constant 48 : i32
        %add3A_209 = arith.addi %while3A_197, %add3A_208 : i32
        %get3A_210 = arith.index_cast %add3A_209 : i32 to index
        %get3A_211 = tpu.vector_load %arg5[%get3A_210] {strides = array<i32>} : memref<2112xf32, #tpu.memory_space<vmem>>, vector<16xf32>,
        %swap3A = arith.index_cast %while3A_198 : i32 to index
        %swap3A_212 = tpu.vector_load %arg8[%swap3A] {strides = array<i32>} : memref<16440xf32, #tpu.memory_space<vmem>>, vector<16xf32>,
        tpu.vector_store %arg8[%swap3A], %gather3A {strides = array<i32>} : memref<16440xf32, #tpu.memory_space<vmem>>, vector<16xf32>,
        %add3A_213 = arith.constant 16 : i32
        %add3A_214 = arith.addi %while3A_198, %add3A_213 : i32
        %swap3A_215 = arith.index_cast %add3A_214 : i32 to index
        %swap3A_216 = tpu.vector_load %arg8[%swap3A_215] {strides = array<i32>} : memref<16440xf32, #tpu.memory_space<vmem>>, vector<16xf32>,
        tpu.vector_store %arg8[%swap3A_215], %gather3A {strides = array<i32>} : memref<16440xf32, #tpu.memory_space<vmem>>, vector<16xf32>,
        %add3A_217 = arith.constant 32 : i32
        %add3A_218 = arith.addi %while3A_198, %add3A_217 : i32
        %swap3A_219 = arith.index_cast %add3A_218 : i32 to index
        %swap3A_220 = tpu.vector_load %arg8[%swap3A_219] {strides = array<i32>} : memref<16440xf32, #tpu.memory_space<vmem>>, vector<16xf32>,
        tpu.vector_store %arg8[%swap3A_219], %gather3A {strides = array<i32>} : memref<16440xf32, #tpu.memory_space<vmem>>, vector<16xf32>,
        %add3A_221 = arith.constant 48 : i32
        %add3A_222 = arith.addi %while3A_198, %add3A_221 : i32
        %swap3A_223 = arith.index_cast %add3A_222 : i32 to index
        %swap3A_224 = tpu.vector_load %arg8[%swap3A_223] {strides = array<i32>} : memref<16440xf32, #tpu.memory_space<vmem>>, vector<16xf32>,
        tpu.vector_store %arg8[%swap3A_223], %gather3A {strides = array<i32>} : memref<16440xf32, #tpu.memory_space<vmem>>, vector<16xf32>,
        %swap3A_225 = arith.index_cast %while3A_198 : i32 to index
        %swap3A_226 = tpu.vector_load %arg9[%swap3A_225] {strides = array<i32>} : memref<16440xf32, #tpu.memory_space<vmem>>, vector<16xf32>,
        tpu.vector_store %arg9[%swap3A_225], %get3A_199 {strides = array<i32>} : memref<16440xf32, #tpu.memory_space<vmem>>, vector<16xf32>,
        %add3A_227 = arith.constant 16 : i32
        %add3A_228 = arith.addi %while3A_198, %add3A_227 : i32
        %swap3A_229 = arith.index_cast %add3A_228 : i32 to index
        %swap3A_230 = tpu.vector_load %arg9[%swap3A_229] {strides = array<i32>} : memref<16440xf32, #tpu.memory_space<vmem>>, vector<16xf32>,
        tpu.vector_store %arg9[%swap3A_229], %get3A_203 {strides = array<i32>} : memref<16440xf32, #tpu.memory_space<vmem>>, vector<16xf32>,
        %add3A_231 = arith.constant 32 : i32
        %add3A_232 = arith.addi %while3A_198, %add3A_231 : i32
        %swap3A_233 = arith.index_cast %add3A_232 : i32 to index
        %swap3A_234 = tpu.vector_load %arg9[%swap3A_233] {strides = array<i32>} : memref<16440xf32, #tpu.memory_space<vmem>>, vector<16xf32>,
        tpu.vector_store %arg9[%swap3A_233], %get3A_207 {strides = array<i32>} : memref<16440xf32, #tpu.memory_space<vmem>>, vector<16xf32>,
        %add3A_235 = arith.constant 48 : i32
        %add3A_236 = arith.addi %while3A_198, %add3A_235 : i32
        %swap3A_237 = arith.index_cast %add3A_236 : i32 to index
        %swap3A_238 = tpu.vector_load %arg9[%swap3A_237] {strides = array<i32>} : memref<16440xf32, #tpu.memory_space<vmem>>, vector<16xf32>,
        tpu.vector_store %arg9[%swap3A_237], %get3A_211 {strides = array<i32>} : memref<16440xf32, #tpu.memory_space<vmem>>, vector<16xf32>,
        %add3A_239 = arith.constant 64 : i32
        %add3A_240 = arith.addi %while3A_197, %add3A_239 : i32
        %add3A_241 = arith.constant 64 : i32
        %add3A_242 = arith.addi %while3A_198, %add3A_241 : i32
        scf.yield %add3A_240, %add3A_242 : i32, i32
      }
      %while3A_186 = arith.constant 1 : i32
      %while3A_187:2 = scf.for %while3A_196 = %while3A_183 to %while3A_179 step %while3A_186 iter_args(%while3A_197 = %while3A_185#0, %while3A_198 = %while3A_185#1) -> (i32, i32)  : i32 {
        %get3A = arith.index_cast %while3A_197 : i32 to index
        %get3A_199 = tpu.vector_load %arg5[%get3A] {strides = array<i32>} : memref<2112xf32, #tpu.memory_space<vmem>>, vector<16xf32>,
        %add3A_200 = arith.constant 16 : i32
        %add3A_201 = arith.addi %while3A_197, %add3A_200 : i32
        %get3A_202 = arith.index_cast %add3A_201 : i32 to index
        %get3A_203 = tpu.vector_load %arg5[%get3A_202] {strides = array<i32>} : memref<2112xf32, #tpu.memory_space<vmem>>, vector<16xf32>,
        %add3A_204 = arith.constant 32 : i32
        %add3A_205 = arith.addi %while3A_197, %add3A_204 : i32
        %get3A_206 = arith.index_cast %add3A_205 : i32 to index
        %get3A_207 = tpu.vector_load %arg5[%get3A_206] {strides = array<i32>} : memref<2112xf32, #tpu.memory_space<vmem>>, vector<16xf32>,
        %add3A_208 = arith.constant 48 : i32
        %add3A_209 = arith.addi %while3A_197, %add3A_208 : i32
        %get3A_210 = arith.index_cast %add3A_209 : i32 to index
        %get3A_211 = tpu.vector_load %arg5[%get3A_210] {strides = array<i32>} : memref<2112xf32, #tpu.memory_space<vmem>>, vector<16xf32>,
        %swap3A = arith.index_cast %while3A_198 : i32 to index
        %swap3A_212 = tpu.vector_load %arg8[%swap3A] {strides = array<i32>} : memref<16440xf32, #tpu.memory_space<vmem>>, vector<16xf32>,
        tpu.vector_store %arg8[%swap3A], %gather3A {strides = array<i32>} : memref<16440xf32, #tpu.memory_space<vmem>>, vector<16xf32>,
        %add3A_213 = arith.constant 16 : i32
        %add3A_214 = arith.addi %while3A_198, %add3A_213 : i32
        %swap3A_215 = arith.index_cast %add3A_214 : i32 to index
        %swap3A_216 = tpu.vector_load %arg8[%swap3A_215] {strides = array<i32>} : memref<16440xf32, #tpu.memory_space<vmem>>, vector<16xf32>,
        tpu.vector_store %arg8[%swap3A_215], %gather3A {strides = array<i32>} : memref<16440xf32, #tpu.memory_space<vmem>>, vector<16xf32>,
        %add3A_217 = arith.constant 32 : i32
        %add3A_218 = arith.addi %while3A_198, %add3A_217 : i32
        %swap3A_219 = arith.index_cast %add3A_218 : i32 to index
        %swap3A_220 = tpu.vector_load %arg8[%swap3A_219] {strides = array<i32>} : memref<16440xf32, #tpu.memory_space<vmem>>, vector<16xf32>,
        tpu.vector_store %arg8[%swap3A_219], %gather3A {strides = array<i32>} : memref<16440xf32, #tpu.memory_space<vmem>>, vector<16xf32>,
        %add3A_221 = arith.constant 48 : i32
        %add3A_222 = arith.addi %while3A_198, %add3A_221 : i32
        %swap3A_223 = arith.index_cast %add3A_222 : i32 to index
        %swap3A_224 = tpu.vector_load %arg8[%swap3A_223] {strides = array<i32>} : memref<16440xf32, #tpu.memory_space<vmem>>, vector<16xf32>,
        tpu.vector_store %arg8[%swap3A_223], %gather3A {strides = array<i32>} : memref<16440xf32, #tpu.memory_space<vmem>>, vector<16xf32>,
        %swap3A_225 = arith.index_cast %while3A_198 : i32 to index
        %swap3A_226 = tpu.vector_load %arg9[%swap3A_225] {strides = array<i32>} : memref<16440xf32, #tpu.memory_space<vmem>>, vector<16xf32>,
        tpu.vector_store %arg9[%swap3A_225], %get3A_199 {strides = array<i32>} : memref<16440xf32, #tpu.memory_space<vmem>>, vector<16xf32>,
        %add3A_227 = arith.constant 16 : i32
        %add3A_228 = arith.addi %while3A_198, %add3A_227 : i32
        %swap3A_229 = arith.index_cast %add3A_228 : i32 to index
        %swap3A_230 = tpu.vector_load %arg9[%swap3A_229] {strides = array<i32>} : memref<16440xf32, #tpu.memory_space<vmem>>, vector<16xf32>,
        tpu.vector_store %arg9[%swap3A_229], %get3A_203 {strides = array<i32>} : memref<16440xf32, #tpu.memory_space<vmem>>, vector<16xf32>,
        %add3A_231 = arith.constant 32 : i32
        %add3A_232 = arith.addi %while3A_198, %add3A_231 : i32
        %swap3A_233 = arith.index_cast %add3A_232 : i32 to index
        %swap3A_234 = tpu.vector_load %arg9[%swap3A_233] {strides = array<i32>} : memref<16440xf32, #tpu.memory_space<vmem>>, vector<16xf32>,
        tpu.vector_store %arg9[%swap3A_233], %get3A_207 {strides = array<i32>} : memref<16440xf32, #tpu.memory_space<vmem>>, vector<16xf32>,
        %add3A_235 = arith.constant 48 : i32
        %add3A_236 = arith.addi %while3A_198, %add3A_235 : i32
        %swap3A_237 = arith.index_cast %add3A_236 : i32 to index
        %swap3A_238 = tpu.vector_load %arg9[%swap3A_237] {strides = array<i32>} : memref<16440xf32, #tpu.memory_space<vmem>>, vector<16xf32>,
        tpu.vector_store %arg9[%swap3A_237], %get3A_211 {strides = array<i32>} : memref<16440xf32, #tpu.memory_space<vmem>>, vector<16xf32>,
        %add3A_239 = arith.constant 64 : i32
        %add3A_240 = arith.addi %while3A_197, %add3A_239 : i32
        %add3A_241 = arith.constant 64 : i32
        %add3A_242 = arith.addi %while3A_198, %add3A_241 : i32
        scf.yield %add3A_240, %add3A_242 : i32, i32
      }
      %eq3A = arith.cmpi eq, %min3A, %sub3A_148 : i32
      %add3A_188 = arith.constant 1 : i32
      %add3A_189 = arith.addi %while3A_144, %add3A_188 : i32
      %select_n3A_190 = arith.select %eq3A, %add3A_189, %while3A_144 : i32
      %add3A_191 = arith.constant 2 : i32
      %add3A_192 = arith.addi %while3A_144, %add3A_191 : i32
      %add3A_193 = arith.addi %while3A_145, %min3A : i32
      %select_n3A_194 = arith.select %eq3A, %add3A_192, %add3A_193 : i32
      %add3A_195 = arith.addi %while3A_146, %min3A : i32
      scf.yield %select_n3A_190, %select_n3A_194, %add3A_195 : i32, i32, i32
    }
    %add3A_51 = arith.constant 16376 : i32
    %add3A_52 = arith.addi %mul3A_34, %add3A_51 : i32
    %dma_start3A_53 = arith.constant 0 : i32
    %dma_start3A_54 = tpu.memref_slice %arg8[%dma_start3A_53] : memref<16440xf32, #tpu.memory_space<vmem>> -> memref<16376xf32, #tpu.memory_space<vmem>>
    %dma_start3A_55 = tpu.memref_slice %arg3[%add3A_52] : memref<2096128xf32, #tpu.memory_space<hbm>> -> memref<16376xf32, #tpu.memory_space<hbm>>
    %dma_start3A_56 = tpu.memref_slice %arg3[%add3A_52] : memref<2096128xf32, #tpu.memory_space<hbm>> -> memref<16376xf32, #tpu.memory_space<hbm>>
    %dma_start3A_57 = arith.constant 0 : i32
    %dma_start3A_58 = tpu.memref_slice %arg8[%dma_start3A_57] : memref<16440xf32, #tpu.memory_space<vmem>> -> memref<16376xf32, #tpu.memory_space<vmem>>
    tpu.enqueue_dma source(%dma_start3A_58 : memref<16376xf32, #tpu.memory_space<vmem>>) target(%dma_start3A_56 : memref<16376xf32, #tpu.memory_space<hbm>>) target_semaphore(%arg11 : memref<!tpu.dma_semaphore, #tpu.memory_space<semaphore_mem>>)
    %dma_start3A_59 = arith.constant 0 : i32
    %dma_start3A_60 = tpu.memref_slice %arg9[%dma_start3A_59] : memref<16440xf32, #tpu.memory_space<vmem>> -> memref<16376xf32, #tpu.memory_space<vmem>>
    %dma_start3A_61 = tpu.memref_slice %arg4[%add3A_52] : memref<2096128xf32, #tpu.memory_space<hbm>> -> memref<16376xf32, #tpu.memory_space<hbm>>
    %dma_start3A_62 = tpu.memref_slice %arg4[%add3A_52] : memref<2096128xf32, #tpu.memory_space<hbm>> -> memref<16376xf32, #tpu.memory_space<hbm>>
    %dma_start3A_63 = arith.constant 0 : i32
    %dma_start3A_64 = tpu.memref_slice %arg9[%dma_start3A_63] : memref<16440xf32, #tpu.memory_space<vmem>> -> memref<16376xf32, #tpu.memory_space<vmem>>
    tpu.enqueue_dma source(%dma_start3A_64 : memref<16376xf32, #tpu.memory_space<vmem>>) target(%dma_start3A_62 : memref<16376xf32, #tpu.memory_space<hbm>>) target_semaphore(%arg11 : memref<!tpu.dma_semaphore, #tpu.memory_space<semaphore_mem>>)
    %dma_wait3A = arith.constant 0 : i32
    %dma_wait3A_65 = tpu.memref_slice %arg6[%dma_wait3A] : memref<16440xf32, #tpu.memory_space<vmem>> -> memref<16376xf32, #tpu.memory_space<vmem>>
    %dma_wait3A_66 = tpu.memref_slice %arg3[%add3A_37] : memref<2096128xf32, #tpu.memory_space<hbm>> -> memref<16376xf32, #tpu.memory_space<hbm>>
    %dma_wait3A_67 = tpu.memref_slice %arg3[%add3A_37] : memref<2096128xf32, #tpu.memory_space<hbm>> -> memref<16376xf32, #tpu.memory_space<hbm>>
    %dma_wait3A_68 = arith.constant 0 : i32
    %dma_wait3A_69 = tpu.memref_slice %arg6[%dma_wait3A_68] : memref<16440xf32, #tpu.memory_space<vmem>> -> memref<16376xf32, #tpu.memory_space<vmem>>
    tpu.wait_dma2 semaphore(%arg10 : memref<!tpu.dma_semaphore, #tpu.memory_space<semaphore_mem>>) src(%dma_wait3A_69 : memref<16376xf32, #tpu.memory_space<vmem>>) dst(%dma_wait3A_67 : memref<16376xf32, #tpu.memory_space<hbm>>)
    %dma_wait3A_70 = arith.constant 0 : i32
    %dma_wait3A_71 = tpu.memref_slice %arg7[%dma_wait3A_70] : memref<16440xf32, #tpu.memory_space<vmem>> -> memref<16376xf32, #tpu.memory_space<vmem>>
    %dma_wait3A_72 = tpu.memref_slice %arg4[%add3A_37] : memref<2096128xf32, #tpu.memory_space<hbm>> -> memref<16376xf32, #tpu.memory_space<hbm>>
    %dma_wait3A_73 = tpu.memref_slice %arg4[%add3A_37] : memref<2096128xf32, #tpu.memory_space<hbm>> -> memref<16376xf32, #tpu.memory_space<hbm>>
    %dma_wait3A_74 = arith.constant 0 : i32
    %dma_wait3A_75 = tpu.memref_slice %arg7[%dma_wait3A_74] : memref<16440xf32, #tpu.memory_space<vmem>> -> memref<16376xf32, #tpu.memory_space<vmem>>
    tpu.wait_dma2 semaphore(%arg10 : memref<!tpu.dma_semaphore, #tpu.memory_space<semaphore_mem>>) src(%dma_wait3A_75 : memref<16376xf32, #tpu.memory_space<vmem>>) dst(%dma_wait3A_73 : memref<16376xf32, #tpu.memory_space<hbm>>)
    %while3A_76 = arith.constant 0 : i32
    %while3A_77:3 = scf.while (%while3A_144 = %while3A_50#0, %while3A_145 = %while3A_50#1, %while3A_146 = %while3A_76) : (i32, i32, i32) -> (i32, i32, i32) {
      %lt3A = arith.constant 16376 : i32
      %lt3A_147 = arith.cmpi slt, %while3A_146, %lt3A : i32
      scf.condition(%lt3A_147) %while3A_144, %while3A_145, %while3A_146 : i32, i32, i32
    } do {
    ^bb0(%while3A_144: i32, %while3A_145: i32, %while3A_146: i32):
      %sub3A_147 = arith.constant 2048 : i32
      %sub3A_148 = arith.subi %sub3A_147, %while3A_145 : i32
      %sub3A_149 = arith.constant 16376 : i32
      %sub3A_150 = arith.subi %sub3A_149, %while3A_146 : i32
      %min3A = arith.minsi %sub3A_148, %sub3A_150 : i32
      %broadcast_in_dim3A = vector.broadcast %while3A_144 : i32 to vector<16xi32>
      %gather3A = tpu.vector_load_idx %arg5[%broadcast_in_dim3A] : memref<2112xf32, #tpu.memory_space<vmem>>[vector<16xi32>], vector<16xf32>,
      %add3A_151 = arith.constant 63 : i32
      %add3A_152 = arith.addi %min3A, %add3A_151 : i32
      %jit3A_153 = arith.constant 64 : i32
      %div3A_154 = arith.divsi %add3A_152, %jit3A_153 : i32
      %sign3A_155 = arith.constant 0 : i32
      %sign3A_156 = arith.cmpi sgt, %add3A_152, %sign3A_155 : i32
      %sign3A_157 = arith.extui %sign3A_156 : i1 to i32
      %sign3A_158 = arith.constant 0 : i32
      %sign3A_159 = arith.cmpi slt, %add3A_152, %sign3A_158 : i32
      %sign3A_160 = arith.extui %sign3A_159 : i1 to i32
      %sign3A_161 = arith.subi %sign3A_157, %sign3A_160 : i32
      %sign3A_162 = arith.constant 0 : i32
      %sign3A_163 = arith.cmpi sgt, %jit3A_153, %sign3A_162 : i32
      %sign3A_164 = arith.extui %sign3A_163 : i1 to i32
      %sign3A_165 = arith.constant 0 : i32
      %sign3A_166 = arith.cmpi slt, %jit3A_153, %sign3A_165 : i32
      %sign3A_167 = arith.extui %sign3A_166 : i1 to i32
      %sign3A_168 = arith.subi %sign3A_164, %sign3A_167 : i32
      %ne3A_169 = arith.cmpi ne, %sign3A_161, %sign3A_168 : i32
      %rem3A_170 = arith.remsi %add3A_152, %jit3A_153 : i32
      %ne3A_171 = arith.constant 0 : i32
      %ne3A_172 = arith.cmpi ne, %rem3A_170, %ne3A_171 : i32
      %and3A_173 = arith.andi %ne3A_169, %ne3A_172 : i1
      %sub3A_174 = arith.constant 1 : i32
      %sub3A_175 = arith.subi %div3A_154, %sub3A_174 : i32
      %select_n3A_176 = arith.select %and3A_173, %sub3A_175, %div3A_154 : i32
      %while3A_177 = arith.constant 0 : i32
      %while3A_178 = arith.subi %select_n3A_176, %while3A_177 : i32
      %while3A_179 = arith.addi %while3A_177, %while3A_178 : i32
      %while3A_180 = arith.constant 1 : i32
      %while3A_181 = arith.divsi %while3A_178, %while3A_180 : i32
      %while3A_182 = arith.muli %while3A_181, %while3A_180 : i32
      %while3A_183 = arith.addi %while3A_177, %while3A_182 : i32
      %while3A_184 = arith.constant 1 : i32
      %while3A_185:2 = scf.for %while3A_196 = %while3A_177 to %while3A_183 step %while3A_184 iter_args(%while3A_197 = %while3A_145, %while3A_198 = %while3A_146) -> (i32, i32)  : i32 {
        %get3A = arith.index_cast %while3A_197 : i32 to index
        %get3A_199 = tpu.vector_load %arg5[%get3A] {strides = array<i32>} : memref<2112xf32, #tpu.memory_space<vmem>>, vector<16xf32>,
        %add3A_200 = arith.constant 16 : i32
        %add3A_201 = arith.addi %while3A_197, %add3A_200 : i32
        %get3A_202 = arith.index_cast %add3A_201 : i32 to index
        %get3A_203 = tpu.vector_load %arg5[%get3A_202] {strides = array<i32>} : memref<2112xf32, #tpu.memory_space<vmem>>, vector<16xf32>,
        %add3A_204 = arith.constant 32 : i32
        %add3A_205 = arith.addi %while3A_197, %add3A_204 : i32
        %get3A_206 = arith.index_cast %add3A_205 : i32 to index
        %get3A_207 = tpu.vector_load %arg5[%get3A_206] {strides = array<i32>} : memref<2112xf32, #tpu.memory_space<vmem>>, vector<16xf32>,
        %add3A_208 = arith.constant 48 : i32
        %add3A_209 = arith.addi %while3A_197, %add3A_208 : i32
        %get3A_210 = arith.index_cast %add3A_209 : i32 to index
        %get3A_211 = tpu.vector_load %arg5[%get3A_210] {strides = array<i32>} : memref<2112xf32, #tpu.memory_space<vmem>>, vector<16xf32>,
        %swap3A = arith.index_cast %while3A_198 : i32 to index
        %swap3A_212 = tpu.vector_load %arg6[%swap3A] {strides = array<i32>} : memref<16440xf32, #tpu.memory_space<vmem>>, vector<16xf32>,
        tpu.vector_store %arg6[%swap3A], %gather3A {strides = array<i32>} : memref<16440xf32, #tpu.memory_space<vmem>>, vector<16xf32>,
        %add3A_213 = arith.constant 16 : i32
        %add3A_214 = arith.addi %while3A_198, %add3A_213 : i32
        %swap3A_215 = arith.index_cast %add3A_214 : i32 to index
        %swap3A_216 = tpu.vector_load %arg6[%swap3A_215] {strides = array<i32>} : memref<16440xf32, #tpu.memory_space<vmem>>, vector<16xf32>,
        tpu.vector_store %arg6[%swap3A_215], %gather3A {strides = array<i32>} : memref<16440xf32, #tpu.memory_space<vmem>>, vector<16xf32>,
        %add3A_217 = arith.constant 32 : i32
        %add3A_218 = arith.addi %while3A_198, %add3A_217 : i32
        %swap3A_219 = arith.index_cast %add3A_218 : i32 to index
        %swap3A_220 = tpu.vector_load %arg6[%swap3A_219] {strides = array<i32>} : memref<16440xf32, #tpu.memory_space<vmem>>, vector<16xf32>,
        tpu.vector_store %arg6[%swap3A_219], %gather3A {strides = array<i32>} : memref<16440xf32, #tpu.memory_space<vmem>>, vector<16xf32>,
        %add3A_221 = arith.constant 48 : i32
        %add3A_222 = arith.addi %while3A_198, %add3A_221 : i32
        %swap3A_223 = arith.index_cast %add3A_222 : i32 to index
        %swap3A_224 = tpu.vector_load %arg6[%swap3A_223] {strides = array<i32>} : memref<16440xf32, #tpu.memory_space<vmem>>, vector<16xf32>,
        tpu.vector_store %arg6[%swap3A_223], %gather3A {strides = array<i32>} : memref<16440xf32, #tpu.memory_space<vmem>>, vector<16xf32>,
        %swap3A_225 = arith.index_cast %while3A_198 : i32 to index
        %swap3A_226 = tpu.vector_load %arg7[%swap3A_225] {strides = array<i32>} : memref<16440xf32, #tpu.memory_space<vmem>>, vector<16xf32>,
        tpu.vector_store %arg7[%swap3A_225], %get3A_199 {strides = array<i32>} : memref<16440xf32, #tpu.memory_space<vmem>>, vector<16xf32>,
        %add3A_227 = arith.constant 16 : i32
        %add3A_228 = arith.addi %while3A_198, %add3A_227 : i32
        %swap3A_229 = arith.index_cast %add3A_228 : i32 to index
        %swap3A_230 = tpu.vector_load %arg7[%swap3A_229] {strides = array<i32>} : memref<16440xf32, #tpu.memory_space<vmem>>, vector<16xf32>,
        tpu.vector_store %arg7[%swap3A_229], %get3A_203 {strides = array<i32>} : memref<16440xf32, #tpu.memory_space<vmem>>, vector<16xf32>,
        %add3A_231 = arith.constant 32 : i32
        %add3A_232 = arith.addi %while3A_198, %add3A_231 : i32
        %swap3A_233 = arith.index_cast %add3A_232 : i32 to index
        %swap3A_234 = tpu.vector_load %arg7[%swap3A_233] {strides = array<i32>} : memref<16440xf32, #tpu.memory_space<vmem>>, vector<16xf32>,
        tpu.vector_store %arg7[%swap3A_233], %get3A_207 {strides = array<i32>} : memref<16440xf32, #tpu.memory_space<vmem>>, vector<16xf32>,
        %add3A_235 = arith.constant 48 : i32
        %add3A_236 = arith.addi %while3A_198, %add3A_235 : i32
        %swap3A_237 = arith.index_cast %add3A_236 : i32 to index
        %swap3A_238 = tpu.vector_load %arg7[%swap3A_237] {strides = array<i32>} : memref<16440xf32, #tpu.memory_space<vmem>>, vector<16xf32>,
        tpu.vector_store %arg7[%swap3A_237], %get3A_211 {strides = array<i32>} : memref<16440xf32, #tpu.memory_space<vmem>>, vector<16xf32>,
        %add3A_239 = arith.constant 64 : i32
        %add3A_240 = arith.addi %while3A_197, %add3A_239 : i32
        %add3A_241 = arith.constant 64 : i32
        %add3A_242 = arith.addi %while3A_198, %add3A_241 : i32
        scf.yield %add3A_240, %add3A_242 : i32, i32
      }
      %while3A_186 = arith.constant 1 : i32
      %while3A_187:2 = scf.for %while3A_196 = %while3A_183 to %while3A_179 step %while3A_186 iter_args(%while3A_197 = %while3A_185#0, %while3A_198 = %while3A_185#1) -> (i32, i32)  : i32 {
        %get3A = arith.index_cast %while3A_197 : i32 to index
        %get3A_199 = tpu.vector_load %arg5[%get3A] {strides = array<i32>} : memref<2112xf32, #tpu.memory_space<vmem>>, vector<16xf32>,
        %add3A_200 = arith.constant 16 : i32
        %add3A_201 = arith.addi %while3A_197, %add3A_200 : i32
        %get3A_202 = arith.index_cast %add3A_201 : i32 to index
        %get3A_203 = tpu.vector_load %arg5[%get3A_202] {strides = array<i32>} : memref<2112xf32, #tpu.memory_space<vmem>>, vector<16xf32>,
        %add3A_204 = arith.constant 32 : i32
        %add3A_205 = arith.addi %while3A_197, %add3A_204 : i32
        %get3A_206 = arith.index_cast %add3A_205 : i32 to index
        %get3A_207 = tpu.vector_load %arg5[%get3A_206] {strides = array<i32>} : memref<2112xf32, #tpu.memory_space<vmem>>, vector<16xf32>,
        %add3A_208 = arith.constant 48 : i32
        %add3A_209 = arith.addi %while3A_197, %add3A_208 : i32
        %get3A_210 = arith.index_cast %add3A_209 : i32 to index
        %get3A_211 = tpu.vector_load %arg5[%get3A_210] {strides = array<i32>} : memref<2112xf32, #tpu.memory_space<vmem>>, vector<16xf32>,
        %swap3A = arith.index_cast %while3A_198 : i32 to index
        %swap3A_212 = tpu.vector_load %arg6[%swap3A] {strides = array<i32>} : memref<16440xf32, #tpu.memory_space<vmem>>, vector<16xf32>,
        tpu.vector_store %arg6[%swap3A], %gather3A {strides = array<i32>} : memref<16440xf32, #tpu.memory_space<vmem>>, vector<16xf32>,
        %add3A_213 = arith.constant 16 : i32
        %add3A_214 = arith.addi %while3A_198, %add3A_213 : i32
        %swap3A_215 = arith.index_cast %add3A_214 : i32 to index
        %swap3A_216 = tpu.vector_load %arg6[%swap3A_215] {strides = array<i32>} : memref<16440xf32, #tpu.memory_space<vmem>>, vector<16xf32>,
        tpu.vector_store %arg6[%swap3A_215], %gather3A {strides = array<i32>} : memref<16440xf32, #tpu.memory_space<vmem>>, vector<16xf32>,
        %add3A_217 = arith.constant 32 : i32
        %add3A_218 = arith.addi %while3A_198, %add3A_217 : i32
        %swap3A_219 = arith.index_cast %add3A_218 : i32 to index
        %swap3A_220 = tpu.vector_load %arg6[%swap3A_219] {strides = array<i32>} : memref<16440xf32, #tpu.memory_space<vmem>>, vector<16xf32>,
        tpu.vector_store %arg6[%swap3A_219], %gather3A {strides = array<i32>} : memref<16440xf32, #tpu.memory_space<vmem>>, vector<16xf32>,
        %add3A_221 = arith.constant 48 : i32
        %add3A_222 = arith.addi %while3A_198, %add3A_221 : i32
        %swap3A_223 = arith.index_cast %add3A_222 : i32 to index
        %swap3A_224 = tpu.vector_load %arg6[%swap3A_223] {strides = array<i32>} : memref<16440xf32, #tpu.memory_space<vmem>>, vector<16xf32>,
        tpu.vector_store %arg6[%swap3A_223], %gather3A {strides = array<i32>} : memref<16440xf32, #tpu.memory_space<vmem>>, vector<16xf32>,
        %swap3A_225 = arith.index_cast %while3A_198 : i32 to index
        %swap3A_226 = tpu.vector_load %arg7[%swap3A_225] {strides = array<i32>} : memref<16440xf32, #tpu.memory_space<vmem>>, vector<16xf32>,
        tpu.vector_store %arg7[%swap3A_225], %get3A_199 {strides = array<i32>} : memref<16440xf32, #tpu.memory_space<vmem>>, vector<16xf32>,
        %add3A_227 = arith.constant 16 : i32
        %add3A_228 = arith.addi %while3A_198, %add3A_227 : i32
        %swap3A_229 = arith.index_cast %add3A_228 : i32 to index
        %swap3A_230 = tpu.vector_load %arg7[%swap3A_229] {strides = array<i32>} : memref<16440xf32, #tpu.memory_space<vmem>>, vector<16xf32>,
        tpu.vector_store %arg7[%swap3A_229], %get3A_203 {strides = array<i32>} : memref<16440xf32, #tpu.memory_space<vmem>>, vector<16xf32>,
        %add3A_231 = arith.constant 32 : i32
        %add3A_232 = arith.addi %while3A_198, %add3A_231 : i32
        %swap3A_233 = arith.index_cast %add3A_232 : i32 to index
        %swap3A_234 = tpu.vector_load %arg7[%swap3A_233] {strides = array<i32>} : memref<16440xf32, #tpu.memory_space<vmem>>, vector<16xf32>,
        tpu.vector_store %arg7[%swap3A_233], %get3A_207 {strides = array<i32>} : memref<16440xf32, #tpu.memory_space<vmem>>, vector<16xf32>,
        %add3A_235 = arith.constant 48 : i32
        %add3A_236 = arith.addi %while3A_198, %add3A_235 : i32
        %swap3A_237 = arith.index_cast %add3A_236 : i32 to index
        %swap3A_238 = tpu.vector_load %arg7[%swap3A_237] {strides = array<i32>} : memref<16440xf32, #tpu.memory_space<vmem>>, vector<16xf32>,
        tpu.vector_store %arg7[%swap3A_237], %get3A_211 {strides = array<i32>} : memref<16440xf32, #tpu.memory_space<vmem>>, vector<16xf32>,
        %add3A_239 = arith.constant 64 : i32
        %add3A_240 = arith.addi %while3A_197, %add3A_239 : i32
        %add3A_241 = arith.constant 64 : i32
        %add3A_242 = arith.addi %while3A_198, %add3A_241 : i32
        scf.yield %add3A_240, %add3A_242 : i32, i32
      }
      %eq3A = arith.cmpi eq, %min3A, %sub3A_148 : i32
      %add3A_188 = arith.constant 1 : i32
      %add3A_189 = arith.addi %while3A_144, %add3A_188 : i32
      %select_n3A_190 = arith.select %eq3A, %add3A_189, %while3A_144 : i32
      %add3A_191 = arith.constant 2 : i32
      %add3A_192 = arith.addi %while3A_144, %add3A_191 : i32
      %add3A_193 = arith.addi %while3A_145, %min3A : i32
      %select_n3A_194 = arith.select %eq3A, %add3A_192, %add3A_193 : i32
      %add3A_195 = arith.addi %while3A_146, %min3A : i32
      scf.yield %select_n3A_190, %select_n3A_194, %add3A_195 : i32, i32, i32
    }
    %add3A_78 = arith.constant 32752 : i32
    %add3A_79 = arith.addi %mul3A_34, %add3A_78 : i32
    %dma_start3A_80 = arith.constant 0 : i32
    %dma_start3A_81 = tpu.memref_slice %arg6[%dma_start3A_80] : memref<16440xf32, #tpu.memory_space<vmem>> -> memref<16376xf32, #tpu.memory_space<vmem>>
    %dma_start3A_82 = tpu.memref_slice %arg3[%add3A_79] : memref<2096128xf32, #tpu.memory_space<hbm>> -> memref<16376xf32, #tpu.memory_space<hbm>>
    %dma_start3A_83 = tpu.memref_slice %arg3[%add3A_79] : memref<2096128xf32, #tpu.memory_space<hbm>> -> memref<16376xf32, #tpu.memory_space<hbm>>
    %dma_start3A_84 = arith.constant 0 : i32
    %dma_start3A_85 = tpu.memref_slice %arg6[%dma_start3A_84] : memref<16440xf32, #tpu.memory_space<vmem>> -> memref<16376xf32, #tpu.memory_space<vmem>>
    tpu.enqueue_dma source(%dma_start3A_85 : memref<16376xf32, #tpu.memory_space<vmem>>) target(%dma_start3A_83 : memref<16376xf32, #tpu.memory_space<hbm>>) target_semaphore(%arg10 : memref<!tpu.dma_semaphore, #tpu.memory_space<semaphore_mem>>)
    %dma_start3A_86 = arith.constant 0 : i32
    %dma_start3A_87 = tpu.memref_slice %arg7[%dma_start3A_86] : memref<16440xf32, #tpu.memory_space<vmem>> -> memref<16376xf32, #tpu.memory_space<vmem>>
    %dma_start3A_88 = tpu.memref_slice %arg4[%add3A_79] : memref<2096128xf32, #tpu.memory_space<hbm>> -> memref<16376xf32, #tpu.memory_space<hbm>>
    %dma_start3A_89 = tpu.memref_slice %arg4[%add3A_79] : memref<2096128xf32, #tpu.memory_space<hbm>> -> memref<16376xf32, #tpu.memory_space<hbm>>
    %dma_start3A_90 = arith.constant 0 : i32
    %dma_start3A_91 = tpu.memref_slice %arg7[%dma_start3A_90] : memref<16440xf32, #tpu.memory_space<vmem>> -> memref<16376xf32, #tpu.memory_space<vmem>>
    tpu.enqueue_dma source(%dma_start3A_91 : memref<16376xf32, #tpu.memory_space<vmem>>) target(%dma_start3A_89 : memref<16376xf32, #tpu.memory_space<hbm>>) target_semaphore(%arg10 : memref<!tpu.dma_semaphore, #tpu.memory_space<semaphore_mem>>)
    %dma_wait3A_92 = arith.constant 0 : i32
    %dma_wait3A_93 = tpu.memref_slice %arg8[%dma_wait3A_92] : memref<16440xf32, #tpu.memory_space<vmem>> -> memref<16376xf32, #tpu.memory_space<vmem>>
    %dma_wait3A_94 = tpu.memref_slice %arg3[%add3A_52] : memref<2096128xf32, #tpu.memory_space<hbm>> -> memref<16376xf32, #tpu.memory_space<hbm>>
    %dma_wait3A_95 = tpu.memref_slice %arg3[%add3A_52] : memref<2096128xf32, #tpu.memory_space<hbm>> -> memref<16376xf32, #tpu.memory_space<hbm>>
    %dma_wait3A_96 = arith.constant 0 : i32
    %dma_wait3A_97 = tpu.memref_slice %arg8[%dma_wait3A_96] : memref<16440xf32, #tpu.memory_space<vmem>> -> memref<16376xf32, #tpu.memory_space<vmem>>
    tpu.wait_dma2 semaphore(%arg11 : memref<!tpu.dma_semaphore, #tpu.memory_space<semaphore_mem>>) src(%dma_wait3A_97 : memref<16376xf32, #tpu.memory_space<vmem>>) dst(%dma_wait3A_95 : memref<16376xf32, #tpu.memory_space<hbm>>)
    %dma_wait3A_98 = arith.constant 0 : i32
    %dma_wait3A_99 = tpu.memref_slice %arg9[%dma_wait3A_98] : memref<16440xf32, #tpu.memory_space<vmem>> -> memref<16376xf32, #tpu.memory_space<vmem>>
    %dma_wait3A_100 = tpu.memref_slice %arg4[%add3A_52] : memref<2096128xf32, #tpu.memory_space<hbm>> -> memref<16376xf32, #tpu.memory_space<hbm>>
    %dma_wait3A_101 = tpu.memref_slice %arg4[%add3A_52] : memref<2096128xf32, #tpu.memory_space<hbm>> -> memref<16376xf32, #tpu.memory_space<hbm>>
    %dma_wait3A_102 = arith.constant 0 : i32
    %dma_wait3A_103 = tpu.memref_slice %arg9[%dma_wait3A_102] : memref<16440xf32, #tpu.memory_space<vmem>> -> memref<16376xf32, #tpu.memory_space<vmem>>
    tpu.wait_dma2 semaphore(%arg11 : memref<!tpu.dma_semaphore, #tpu.memory_space<semaphore_mem>>) src(%dma_wait3A_103 : memref<16376xf32, #tpu.memory_space<vmem>>) dst(%dma_wait3A_101 : memref<16376xf32, #tpu.memory_space<hbm>>)
    %while3A_104 = arith.constant 0 : i32
    %while3A_105:3 = scf.while (%while3A_144 = %while3A_77#0, %while3A_145 = %while3A_77#1, %while3A_146 = %while3A_104) : (i32, i32, i32) -> (i32, i32, i32) {
      %lt3A = arith.constant 16376 : i32
      %lt3A_147 = arith.cmpi slt, %while3A_146, %lt3A : i32
      scf.condition(%lt3A_147) %while3A_144, %while3A_145, %while3A_146 : i32, i32, i32
    } do {
    ^bb0(%while3A_144: i32, %while3A_145: i32, %while3A_146: i32):
      %sub3A_147 = arith.constant 2048 : i32
      %sub3A_148 = arith.subi %sub3A_147, %while3A_145 : i32
      %sub3A_149 = arith.constant 16376 : i32
      %sub3A_150 = arith.subi %sub3A_149, %while3A_146 : i32
      %min3A = arith.minsi %sub3A_148, %sub3A_150 : i32
      %broadcast_in_dim3A = vector.broadcast %while3A_144 : i32 to vector<16xi32>
      %gather3A = tpu.vector_load_idx %arg5[%broadcast_in_dim3A] : memref<2112xf32, #tpu.memory_space<vmem>>[vector<16xi32>], vector<16xf32>,
      %add3A_151 = arith.constant 63 : i32
      %add3A_152 = arith.addi %min3A, %add3A_151 : i32
      %jit3A_153 = arith.constant 64 : i32
      %div3A_154 = arith.divsi %add3A_152, %jit3A_153 : i32
      %sign3A_155 = arith.constant 0 : i32
      %sign3A_156 = arith.cmpi sgt, %add3A_152, %sign3A_155 : i32
      %sign3A_157 = arith.extui %sign3A_156 : i1 to i32
      %sign3A_158 = arith.constant 0 : i32
      %sign3A_159 = arith.cmpi slt, %add3A_152, %sign3A_158 : i32
      %sign3A_160 = arith.extui %sign3A_159 : i1 to i32
      %sign3A_161 = arith.subi %sign3A_157, %sign3A_160 : i32
      %sign3A_162 = arith.constant 0 : i32
      %sign3A_163 = arith.cmpi sgt, %jit3A_153, %sign3A_162 : i32
      %sign3A_164 = arith.extui %sign3A_163 : i1 to i32
      %sign3A_165 = arith.constant 0 : i32
      %sign3A_166 = arith.cmpi slt, %jit3A_153, %sign3A_165 : i32
      %sign3A_167 = arith.extui %sign3A_166 : i1 to i32
      %sign3A_168 = arith.subi %sign3A_164, %sign3A_167 : i32
      %ne3A_169 = arith.cmpi ne, %sign3A_161, %sign3A_168 : i32
      %rem3A_170 = arith.remsi %add3A_152, %jit3A_153 : i32
      %ne3A_171 = arith.constant 0 : i32
      %ne3A_172 = arith.cmpi ne, %rem3A_170, %ne3A_171 : i32
      %and3A_173 = arith.andi %ne3A_169, %ne3A_172 : i1
      %sub3A_174 = arith.constant 1 : i32
      %sub3A_175 = arith.subi %div3A_154, %sub3A_174 : i32
      %select_n3A_176 = arith.select %and3A_173, %sub3A_175, %div3A_154 : i32
      %while3A_177 = arith.constant 0 : i32
      %while3A_178 = arith.subi %select_n3A_176, %while3A_177 : i32
      %while3A_179 = arith.addi %while3A_177, %while3A_178 : i32
      %while3A_180 = arith.constant 1 : i32
      %while3A_181 = arith.divsi %while3A_178, %while3A_180 : i32
      %while3A_182 = arith.muli %while3A_181, %while3A_180 : i32
      %while3A_183 = arith.addi %while3A_177, %while3A_182 : i32
      %while3A_184 = arith.constant 1 : i32
      %while3A_185:2 = scf.for %while3A_196 = %while3A_177 to %while3A_183 step %while3A_184 iter_args(%while3A_197 = %while3A_145, %while3A_198 = %while3A_146) -> (i32, i32)  : i32 {
        %get3A = arith.index_cast %while3A_197 : i32 to index
        %get3A_199 = tpu.vector_load %arg5[%get3A] {strides = array<i32>} : memref<2112xf32, #tpu.memory_space<vmem>>, vector<16xf32>,
        %add3A_200 = arith.constant 16 : i32
        %add3A_201 = arith.addi %while3A_197, %add3A_200 : i32
        %get3A_202 = arith.index_cast %add3A_201 : i32 to index
        %get3A_203 = tpu.vector_load %arg5[%get3A_202] {strides = array<i32>} : memref<2112xf32, #tpu.memory_space<vmem>>, vector<16xf32>,
        %add3A_204 = arith.constant 32 : i32
        %add3A_205 = arith.addi %while3A_197, %add3A_204 : i32
        %get3A_206 = arith.index_cast %add3A_205 : i32 to index
        %get3A_207 = tpu.vector_load %arg5[%get3A_206] {strides = array<i32>} : memref<2112xf32, #tpu.memory_space<vmem>>, vector<16xf32>,
        %add3A_208 = arith.constant 48 : i32
        %add3A_209 = arith.addi %while3A_197, %add3A_208 : i32
        %get3A_210 = arith.index_cast %add3A_209 : i32 to index
        %get3A_211 = tpu.vector_load %arg5[%get3A_210] {strides = array<i32>} : memref<2112xf32, #tpu.memory_space<vmem>>, vector<16xf32>,
        %swap3A = arith.index_cast %while3A_198 : i32 to index
        %swap3A_212 = tpu.vector_load %arg8[%swap3A] {strides = array<i32>} : memref<16440xf32, #tpu.memory_space<vmem>>, vector<16xf32>,
        tpu.vector_store %arg8[%swap3A], %gather3A {strides = array<i32>} : memref<16440xf32, #tpu.memory_space<vmem>>, vector<16xf32>,
        %add3A_213 = arith.constant 16 : i32
        %add3A_214 = arith.addi %while3A_198, %add3A_213 : i32
        %swap3A_215 = arith.index_cast %add3A_214 : i32 to index
        %swap3A_216 = tpu.vector_load %arg8[%swap3A_215] {strides = array<i32>} : memref<16440xf32, #tpu.memory_space<vmem>>, vector<16xf32>,
        tpu.vector_store %arg8[%swap3A_215], %gather3A {strides = array<i32>} : memref<16440xf32, #tpu.memory_space<vmem>>, vector<16xf32>,
        %add3A_217 = arith.constant 32 : i32
        %add3A_218 = arith.addi %while3A_198, %add3A_217 : i32
        %swap3A_219 = arith.index_cast %add3A_218 : i32 to index
        %swap3A_220 = tpu.vector_load %arg8[%swap3A_219] {strides = array<i32>} : memref<16440xf32, #tpu.memory_space<vmem>>, vector<16xf32>,
        tpu.vector_store %arg8[%swap3A_219], %gather3A {strides = array<i32>} : memref<16440xf32, #tpu.memory_space<vmem>>, vector<16xf32>,
        %add3A_221 = arith.constant 48 : i32
        %add3A_222 = arith.addi %while3A_198, %add3A_221 : i32
        %swap3A_223 = arith.index_cast %add3A_222 : i32 to index
        %swap3A_224 = tpu.vector_load %arg8[%swap3A_223] {strides = array<i32>} : memref<16440xf32, #tpu.memory_space<vmem>>, vector<16xf32>,
        tpu.vector_store %arg8[%swap3A_223], %gather3A {strides = array<i32>} : memref<16440xf32, #tpu.memory_space<vmem>>, vector<16xf32>,
        %swap3A_225 = arith.index_cast %while3A_198 : i32 to index
        %swap3A_226 = tpu.vector_load %arg9[%swap3A_225] {strides = array<i32>} : memref<16440xf32, #tpu.memory_space<vmem>>, vector<16xf32>,
        tpu.vector_store %arg9[%swap3A_225], %get3A_199 {strides = array<i32>} : memref<16440xf32, #tpu.memory_space<vmem>>, vector<16xf32>,
        %add3A_227 = arith.constant 16 : i32
        %add3A_228 = arith.addi %while3A_198, %add3A_227 : i32
        %swap3A_229 = arith.index_cast %add3A_228 : i32 to index
        %swap3A_230 = tpu.vector_load %arg9[%swap3A_229] {strides = array<i32>} : memref<16440xf32, #tpu.memory_space<vmem>>, vector<16xf32>,
        tpu.vector_store %arg9[%swap3A_229], %get3A_203 {strides = array<i32>} : memref<16440xf32, #tpu.memory_space<vmem>>, vector<16xf32>,
        %add3A_231 = arith.constant 32 : i32
        %add3A_232 = arith.addi %while3A_198, %add3A_231 : i32
        %swap3A_233 = arith.index_cast %add3A_232 : i32 to index
        %swap3A_234 = tpu.vector_load %arg9[%swap3A_233] {strides = array<i32>} : memref<16440xf32, #tpu.memory_space<vmem>>, vector<16xf32>,
        tpu.vector_store %arg9[%swap3A_233], %get3A_207 {strides = array<i32>} : memref<16440xf32, #tpu.memory_space<vmem>>, vector<16xf32>,
        %add3A_235 = arith.constant 48 : i32
        %add3A_236 = arith.addi %while3A_198, %add3A_235 : i32
        %swap3A_237 = arith.index_cast %add3A_236 : i32 to index
        %swap3A_238 = tpu.vector_load %arg9[%swap3A_237] {strides = array<i32>} : memref<16440xf32, #tpu.memory_space<vmem>>, vector<16xf32>,
        tpu.vector_store %arg9[%swap3A_237], %get3A_211 {strides = array<i32>} : memref<16440xf32, #tpu.memory_space<vmem>>, vector<16xf32>,
        %add3A_239 = arith.constant 64 : i32
        %add3A_240 = arith.addi %while3A_197, %add3A_239 : i32
        %add3A_241 = arith.constant 64 : i32
        %add3A_242 = arith.addi %while3A_198, %add3A_241 : i32
        scf.yield %add3A_240, %add3A_242 : i32, i32
      }
      %while3A_186 = arith.constant 1 : i32
      %while3A_187:2 = scf.for %while3A_196 = %while3A_183 to %while3A_179 step %while3A_186 iter_args(%while3A_197 = %while3A_185#0, %while3A_198 = %while3A_185#1) -> (i32, i32)  : i32 {
        %get3A = arith.index_cast %while3A_197 : i32 to index
        %get3A_199 = tpu.vector_load %arg5[%get3A] {strides = array<i32>} : memref<2112xf32, #tpu.memory_space<vmem>>, vector<16xf32>,
        %add3A_200 = arith.constant 16 : i32
        %add3A_201 = arith.addi %while3A_197, %add3A_200 : i32
        %get3A_202 = arith.index_cast %add3A_201 : i32 to index
        %get3A_203 = tpu.vector_load %arg5[%get3A_202] {strides = array<i32>} : memref<2112xf32, #tpu.memory_space<vmem>>, vector<16xf32>,
        %add3A_204 = arith.constant 32 : i32
        %add3A_205 = arith.addi %while3A_197, %add3A_204 : i32
        %get3A_206 = arith.index_cast %add3A_205 : i32 to index
        %get3A_207 = tpu.vector_load %arg5[%get3A_206] {strides = array<i32>} : memref<2112xf32, #tpu.memory_space<vmem>>, vector<16xf32>,
        %add3A_208 = arith.constant 48 : i32
        %add3A_209 = arith.addi %while3A_197, %add3A_208 : i32
        %get3A_210 = arith.index_cast %add3A_209 : i32 to index
        %get3A_211 = tpu.vector_load %arg5[%get3A_210] {strides = array<i32>} : memref<2112xf32, #tpu.memory_space<vmem>>, vector<16xf32>,
        %swap3A = arith.index_cast %while3A_198 : i32 to index
        %swap3A_212 = tpu.vector_load %arg8[%swap3A] {strides = array<i32>} : memref<16440xf32, #tpu.memory_space<vmem>>, vector<16xf32>,
        tpu.vector_store %arg8[%swap3A], %gather3A {strides = array<i32>} : memref<16440xf32, #tpu.memory_space<vmem>>, vector<16xf32>,
        %add3A_213 = arith.constant 16 : i32
        %add3A_214 = arith.addi %while3A_198, %add3A_213 : i32
        %swap3A_215 = arith.index_cast %add3A_214 : i32 to index
        %swap3A_216 = tpu.vector_load %arg8[%swap3A_215] {strides = array<i32>} : memref<16440xf32, #tpu.memory_space<vmem>>, vector<16xf32>,
        tpu.vector_store %arg8[%swap3A_215], %gather3A {strides = array<i32>} : memref<16440xf32, #tpu.memory_space<vmem>>, vector<16xf32>,
        %add3A_217 = arith.constant 32 : i32
        %add3A_218 = arith.addi %while3A_198, %add3A_217 : i32
        %swap3A_219 = arith.index_cast %add3A_218 : i32 to index
        %swap3A_220 = tpu.vector_load %arg8[%swap3A_219] {strides = array<i32>} : memref<16440xf32, #tpu.memory_space<vmem>>, vector<16xf32>,
        tpu.vector_store %arg8[%swap3A_219], %gather3A {strides = array<i32>} : memref<16440xf32, #tpu.memory_space<vmem>>, vector<16xf32>,
        %add3A_221 = arith.constant 48 : i32
        %add3A_222 = arith.addi %while3A_198, %add3A_221 : i32
        %swap3A_223 = arith.index_cast %add3A_222 : i32 to index
        %swap3A_224 = tpu.vector_load %arg8[%swap3A_223] {strides = array<i32>} : memref<16440xf32, #tpu.memory_space<vmem>>, vector<16xf32>,
        tpu.vector_store %arg8[%swap3A_223], %gather3A {strides = array<i32>} : memref<16440xf32, #tpu.memory_space<vmem>>, vector<16xf32>,
        %swap3A_225 = arith.index_cast %while3A_198 : i32 to index
        %swap3A_226 = tpu.vector_load %arg9[%swap3A_225] {strides = array<i32>} : memref<16440xf32, #tpu.memory_space<vmem>>, vector<16xf32>,
        tpu.vector_store %arg9[%swap3A_225], %get3A_199 {strides = array<i32>} : memref<16440xf32, #tpu.memory_space<vmem>>, vector<16xf32>,
        %add3A_227 = arith.constant 16 : i32
        %add3A_228 = arith.addi %while3A_198, %add3A_227 : i32
        %swap3A_229 = arith.index_cast %add3A_228 : i32 to index
        %swap3A_230 = tpu.vector_load %arg9[%swap3A_229] {strides = array<i32>} : memref<16440xf32, #tpu.memory_space<vmem>>, vector<16xf32>,
        tpu.vector_store %arg9[%swap3A_229], %get3A_203 {strides = array<i32>} : memref<16440xf32, #tpu.memory_space<vmem>>, vector<16xf32>,
        %add3A_231 = arith.constant 32 : i32
        %add3A_232 = arith.addi %while3A_198, %add3A_231 : i32
        %swap3A_233 = arith.index_cast %add3A_232 : i32 to index
        %swap3A_234 = tpu.vector_load %arg9[%swap3A_233] {strides = array<i32>} : memref<16440xf32, #tpu.memory_space<vmem>>, vector<16xf32>,
        tpu.vector_store %arg9[%swap3A_233], %get3A_207 {strides = array<i32>} : memref<16440xf32, #tpu.memory_space<vmem>>, vector<16xf32>,
        %add3A_235 = arith.constant 48 : i32
        %add3A_236 = arith.addi %while3A_198, %add3A_235 : i32
        %swap3A_237 = arith.index_cast %add3A_236 : i32 to index
        %swap3A_238 = tpu.vector_load %arg9[%swap3A_237] {strides = array<i32>} : memref<16440xf32, #tpu.memory_space<vmem>>, vector<16xf32>,
        tpu.vector_store %arg9[%swap3A_237], %get3A_211 {strides = array<i32>} : memref<16440xf32, #tpu.memory_space<vmem>>, vector<16xf32>,
        %add3A_239 = arith.constant 64 : i32
        %add3A_240 = arith.addi %while3A_197, %add3A_239 : i32
        %add3A_241 = arith.constant 64 : i32
        %add3A_242 = arith.addi %while3A_198, %add3A_241 : i32
        scf.yield %add3A_240, %add3A_242 : i32, i32
      }
      %eq3A = arith.cmpi eq, %min3A, %sub3A_148 : i32
      %add3A_188 = arith.constant 1 : i32
      %add3A_189 = arith.addi %while3A_144, %add3A_188 : i32
      %select_n3A_190 = arith.select %eq3A, %add3A_189, %while3A_144 : i32
      %add3A_191 = arith.constant 2 : i32
      %add3A_192 = arith.addi %while3A_144, %add3A_191 : i32
      %add3A_193 = arith.addi %while3A_145, %min3A : i32
      %select_n3A_194 = arith.select %eq3A, %add3A_192, %add3A_193 : i32
      %add3A_195 = arith.addi %while3A_146, %min3A : i32
      scf.yield %select_n3A_190, %select_n3A_194, %add3A_195 : i32, i32, i32
    }
    %add3A_106 = arith.constant 49128 : i32
    %add3A_107 = arith.addi %mul3A_34, %add3A_106 : i32
    %dma_start3A_108 = arith.constant 0 : i32
    %dma_start3A_109 = tpu.memref_slice %arg8[%dma_start3A_108] : memref<16440xf32, #tpu.memory_space<vmem>> -> memref<16376xf32, #tpu.memory_space<vmem>>
    %dma_start3A_110 = tpu.memref_slice %arg3[%add3A_107] : memref<2096128xf32, #tpu.memory_space<hbm>> -> memref<16376xf32, #tpu.memory_space<hbm>>
    %dma_start3A_111 = tpu.memref_slice %arg3[%add3A_107] : memref<2096128xf32, #tpu.memory_space<hbm>> -> memref<16376xf32, #tpu.memory_space<hbm>>
    %dma_start3A_112 = arith.constant 0 : i32
    %dma_start3A_113 = tpu.memref_slice %arg8[%dma_start3A_112] : memref<16440xf32, #tpu.memory_space<vmem>> -> memref<16376xf32, #tpu.memory_space<vmem>>
    tpu.enqueue_dma source(%dma_start3A_113 : memref<16376xf32, #tpu.memory_space<vmem>>) target(%dma_start3A_111 : memref<16376xf32, #tpu.memory_space<hbm>>) target_semaphore(%arg11 : memref<!tpu.dma_semaphore, #tpu.memory_space<semaphore_mem>>)
    %dma_start3A_114 = arith.constant 0 : i32
    %dma_start3A_115 = tpu.memref_slice %arg9[%dma_start3A_114] : memref<16440xf32, #tpu.memory_space<vmem>> -> memref<16376xf32, #tpu.memory_space<vmem>>
    %dma_start3A_116 = tpu.memref_slice %arg4[%add3A_107] : memref<2096128xf32, #tpu.memory_space<hbm>> -> memref<16376xf32, #tpu.memory_space<hbm>>
    %dma_start3A_117 = tpu.memref_slice %arg4[%add3A_107] : memref<2096128xf32, #tpu.memory_space<hbm>> -> memref<16376xf32, #tpu.memory_space<hbm>>
    %dma_start3A_118 = arith.constant 0 : i32
    %dma_start3A_119 = tpu.memref_slice %arg9[%dma_start3A_118] : memref<16440xf32, #tpu.memory_space<vmem>> -> memref<16376xf32, #tpu.memory_space<vmem>>
    tpu.enqueue_dma source(%dma_start3A_119 : memref<16376xf32, #tpu.memory_space<vmem>>) target(%dma_start3A_117 : memref<16376xf32, #tpu.memory_space<hbm>>) target_semaphore(%arg11 : memref<!tpu.dma_semaphore, #tpu.memory_space<semaphore_mem>>)
    %dma_wait3A_120 = arith.constant 0 : i32
    %dma_wait3A_121 = tpu.memref_slice %arg6[%dma_wait3A_120] : memref<16440xf32, #tpu.memory_space<vmem>> -> memref<16376xf32, #tpu.memory_space<vmem>>
    %dma_wait3A_122 = tpu.memref_slice %arg3[%add3A_79] : memref<2096128xf32, #tpu.memory_space<hbm>> -> memref<16376xf32, #tpu.memory_space<hbm>>
    %dma_wait3A_123 = tpu.memref_slice %arg3[%add3A_79] : memref<2096128xf32, #tpu.memory_space<hbm>> -> memref<16376xf32, #tpu.memory_space<hbm>>
    %dma_wait3A_124 = arith.constant 0 : i32
    %dma_wait3A_125 = tpu.memref_slice %arg6[%dma_wait3A_124] : memref<16440xf32, #tpu.memory_space<vmem>> -> memref<16376xf32, #tpu.memory_space<vmem>>
    tpu.wait_dma2 semaphore(%arg10 : memref<!tpu.dma_semaphore, #tpu.memory_space<semaphore_mem>>) src(%dma_wait3A_125 : memref<16376xf32, #tpu.memory_space<vmem>>) dst(%dma_wait3A_123 : memref<16376xf32, #tpu.memory_space<hbm>>)
    %dma_wait3A_126 = arith.constant 0 : i32
    %dma_wait3A_127 = tpu.memref_slice %arg7[%dma_wait3A_126] : memref<16440xf32, #tpu.memory_space<vmem>> -> memref<16376xf32, #tpu.memory_space<vmem>>
    %dma_wait3A_128 = tpu.memref_slice %arg4[%add3A_79] : memref<2096128xf32, #tpu.memory_space<hbm>> -> memref<16376xf32, #tpu.memory_space<hbm>>
    %dma_wait3A_129 = tpu.memref_slice %arg4[%add3A_79] : memref<2096128xf32, #tpu.memory_space<hbm>> -> memref<16376xf32, #tpu.memory_space<hbm>>
    %dma_wait3A_130 = arith.constant 0 : i32
    %dma_wait3A_131 = tpu.memref_slice %arg7[%dma_wait3A_130] : memref<16440xf32, #tpu.memory_space<vmem>> -> memref<16376xf32, #tpu.memory_space<vmem>>
    tpu.wait_dma2 semaphore(%arg10 : memref<!tpu.dma_semaphore, #tpu.memory_space<semaphore_mem>>) src(%dma_wait3A_131 : memref<16376xf32, #tpu.memory_space<vmem>>) dst(%dma_wait3A_129 : memref<16376xf32, #tpu.memory_space<hbm>>)
    %dma_wait3A_132 = arith.constant 0 : i32
    %dma_wait3A_133 = tpu.memref_slice %arg8[%dma_wait3A_132] : memref<16440xf32, #tpu.memory_space<vmem>> -> memref<16376xf32, #tpu.memory_space<vmem>>
    %dma_wait3A_134 = tpu.memref_slice %arg3[%add3A_107] : memref<2096128xf32, #tpu.memory_space<hbm>> -> memref<16376xf32, #tpu.memory_space<hbm>>
    %dma_wait3A_135 = tpu.memref_slice %arg3[%add3A_107] : memref<2096128xf32, #tpu.memory_space<hbm>> -> memref<16376xf32, #tpu.memory_space<hbm>>
    %dma_wait3A_136 = arith.constant 0 : i32
    %dma_wait3A_137 = tpu.memref_slice %arg8[%dma_wait3A_136] : memref<16440xf32, #tpu.memory_space<vmem>> -> memref<16376xf32, #tpu.memory_space<vmem>>
    tpu.wait_dma2 semaphore(%arg11 : memref<!tpu.dma_semaphore, #tpu.memory_space<semaphore_mem>>) src(%dma_wait3A_137 : memref<16376xf32, #tpu.memory_space<vmem>>) dst(%dma_wait3A_135 : memref<16376xf32, #tpu.memory_space<hbm>>)
    %dma_wait3A_138 = arith.constant 0 : i32
    %dma_wait3A_139 = tpu.memref_slice %arg9[%dma_wait3A_138] : memref<16440xf32, #tpu.memory_space<vmem>> -> memref<16376xf32, #tpu.memory_space<vmem>>
    %dma_wait3A_140 = tpu.memref_slice %arg4[%add3A_107] : memref<2096128xf32, #tpu.memory_space<hbm>> -> memref<16376xf32, #tpu.memory_space<hbm>>
    %dma_wait3A_141 = tpu.memref_slice %arg4[%add3A_107] : memref<2096128xf32, #tpu.memory_space<hbm>> -> memref<16376xf32, #tpu.memory_space<hbm>>
    %dma_wait3A_142 = arith.constant 0 : i32
    %dma_wait3A_143 = tpu.memref_slice %arg9[%dma_wait3A_142] : memref<16440xf32, #tpu.memory_space<vmem>> -> memref<16376xf32, #tpu.memory_space<vmem>>
    tpu.wait_dma2 semaphore(%arg11 : memref<!tpu.dma_semaphore, #tpu.memory_space<semaphore_mem>>) src(%dma_wait3A_143 : memref<16376xf32, #tpu.memory_space<vmem>>) dst(%dma_wait3A_141 : memref<16376xf32, #tpu.memory_space<hbm>>)
    return
  }
}

</mosaic_0001>

<sc_bundles>
// kernel: kernel.3.cloned.1.call-start
scs
__scs_entry_jumppad:
0x0: {  	(pc) =	sbr.rel $0x88, $3  }
0x1: {  	(tag) =	ssettag $0x0;
	lr =	simm.s32 $0x1  }
0x2: {  	[smem:$0x3FA0] =	sst lr;
	_ =	strace $0xD0000000  }
0x3: {  	_ = 	snop  }
0x4: {  	_ = 	snop  }
0x5: {  	_ = 	snop  }
0x6: {  	_ = 	snop  }
0x7: {  	_ = 	snop  }
__scs_overlays_trampoline_lowered:
0x8: {  	[smem:$0x3FAF] =	sst s0  }
0x9: {  	[smem:$0x3FB0] =	sst s1  }
0xa: {  	[smem:$0x3FB1] =	sst s2  }
0xb: {  	[smem:$0x3FB2] =	sst s3  }
0xc: {  	[smem:$0x3FB3] =	sst s4  }
0xd: {  	[smem:$0x3FB4] =	sst s5  }
0xe: {  	[smem:$0x3FB5] =	sst s6  }
0xf: {  	[smem:$0x3FB6] =	sst s7  }
0x10: {  	[smem:$0x3FB7] =	sst s8  }
0x11: {  	[smem:$0x3FB8] =	sst s9;
	s0 =	simm.s32 @!p0 $0x0  }
0x12: {  	s1 =	sld [smem:$0x3F9E];
	s0 =	simm.s32 @p0 $0x1  }
0x13: {  	[smem:$0x3FB9] =	sst s0;
	s0 =	simm.s32 @!p1 $0x0  }
0x14: {  	s2 =	sld [smem:$0x3F9D];
	s0 =	simm.s32 @p1 $0x1  }
0x15: {  	[smem:$0x3FBA] =	sst s0;
	s0 =	simm.s32 @!p2 $0x0  }
0x16: {  	s3 =	sld [smem:$0x3FDB];
	s0 =	simm.s32 @p2 $0x1  }
0x17: {  	s4 =	simm.s32 $0x1BF5;
	[smem:$0x3FBC] =	sst s0  }
0x18: {  	s0 =	sld [smem:$0x3F9F];
	_ =	swait.ge [sflag:s4], $0x0  }
0x19: {  	s7 =	sld [smem:$0x3FA0]  }
0x1a: {  	s8 =	sadd.s32 $0xFFFFE003, lr  }
0x1b: {  	s9 =	sadd.s32 $0xFFFFFEF7, lr;
	s5 =	simm.s32 $0xFFFFFFFF;
	p2 =	slt.u32 s8, $0xFFFFF086  }
0x1c: {  	p1 =	slt.u32 s9, $0xF7A;
	s5 =	simm.s32 @!p2 $0x0  }
0x1d: {  	s5 =	simm.s32 @p1 $0x1;
	p0 =	seq.s32 s7, s2  }
0x1e: {  	s7 =	smul.u32 @!p0 $0xF7A, s2;
	p2 =	seq.s32 @!p0 s5, $0x0  }
0x1f: {  	s9 =	smul.u32 $0xF7A, s1;
	s8 =	simm.s32 @!p0 $0x1BF5;
	p2 =	por !p2, p0  }
0x20: {  	[sflag:s8] =	ssyncset.s32 @!p0 $0xFFFFF086;
	s6 =	sadd.s32 @!p0 s3, s7;
	s7 =	simm.s32 @!p0 $0x108  }
0x21: {  	s3 =	sadd.s32 s3, s9;
	s6 =	sadd.s32 @!p0 $0x88, s6;
	s7 =	simm.s32 @p2 $0x1082  }
0x22: {  	[simem:s7], [sflag:s8] =	dma.local @!p0 [hbm:s6], $0xF7A  }
0x23: {  	s9 =	sor.u32 $0xD0000000, s2;
	s6 =	simm.s32 $0x108;
	_ =	swait.ge @!p0 [sflag:s8], $0x0  }
0x24: {  	s3 =	sadd.s32 $0x88, s3;
	s6 =	simm.s32 @!p1 $0x1082;
	[sflag:s4] =	ssyncset.s32 $0xFFFFF086  }
0x25: {  	[simem:s6], [sflag:s4] =	dma.local [hbm:s3], $0xF7A  }
0x26: {  	[smem:$0x3FA0] =	sst s1;
	(tag) =	ssettag s2;
	_ =	strace s9  }
0x27: {  	s1 =	sld [smem:$0x3FB0]  }
0x28: {  	s2 =	sld [smem:$0x3FB1]  }
0x29: {  	s4 =	sld [smem:$0x3FB3]  }
0x2a: {  	p0 =	seq.s32 s5, $0x0;
	s5 =	sld [smem:$0x3FB4]  }
0x2b: {  	s6 =	sld [smem:$0x3FB5]  }
0x2c: {  	s7 =	sld [smem:$0x3FB6]  }
0x2d: {  	s3 =	simm.s32 $0x108;
	s8 =	sld [smem:$0x3FB7]  }
0x2e: {  	s3 =	simm.s32 @!p0 $0x1082;
	s9 =	sld [smem:$0x3FB8]  }
0x2f: {  	lr =	sadd.s32 s0, s3;
	s0 =	sld [smem:$0x3FAF]  }
0x30: {  	s3 =	sld [smem:$0x3FB2]  }
0x31: {  	[smem:$0x3FBB] =	sst s10  }
0x32: {  	s10 =	sld [smem:$0x3FB9];
	_ =	sdelay $0x3  }
0x33: {  	p0 =	seq.s32 s10, $0x1;
	s10 =	sld [smem:$0x3FBB];
	_ =	sdelay $0x3  }
0x34: {  	[smem:$0x3FBB] =	sst s10  }
0x35: {  	s10 =	sld [smem:$0x3FBA];
	_ =	sdelay $0x3  }
0x36: {  	p1 =	seq.s32 s10, $0x1;
	s10 =	sld [smem:$0x3FBB];
	_ =	sdelay $0x3  }
0x37: {  	[smem:$0x3FBB] =	sst s10  }
0x38: {  	s10 =	sld [smem:$0x3FBC]  }
0x39: {  	_ = 	snop;
	(pc) =	sbr.ind lr, $3  }
0x3a: {  	_ = 	snop  }
0x3b: {  	_ = 	snop  }
0x3c: {  	p2 =	seq.s32 s10, $0x1;
	s10 =	sld [smem:$0x3FBB]  }
0x3d: {  	_ =	shalt  }
0x3e: {  	_ =	shalt  }
0x3f: {  	_ =	shalt  }
0x40: {  	_ =	shalt  }
0x41: {  	_ =	shalt  }
0x42: {  	_ =	shalt  }
0x43: {  	_ =	shalt  }
0x44: {  	_ =	shalt  }
0x45: {  	_ =	shalt  }
0x46: {  	_ =	shalt  }
0x47: {  	_ =	shalt  }
0x48: {  	_ =	shalt  }
0x49: {  	_ =	shalt  }
0x4a: {  	_ =	shalt  }
0x4b: {  	_ =	shalt  }
0x4c: {  	_ =	shalt  }
0x4d: {  	_ =	shalt  }
0x4e: {  	_ =	shalt  }
0x4f: {  	_ =	shalt  }
0x50: {  	_ =	shalt  }
0x51: {  	_ =	shalt  }
0x52: {  	_ =	shalt  }
0x53: {  	_ =	shalt  }
0x54: {  	_ =	shalt  }
0x55: {  	_ =	shalt  }
0x56: {  	_ =	shalt  }
0x57: {  	_ =	shalt  }
0x58: {  	_ =	shalt  }
0x59: {  	_ =	shalt  }
0x5a: {  	_ =	shalt  }
0x5b: {  	_ =	shalt  }
0x5c: {  	_ =	shalt  }
0x5d: {  	_ =	shalt  }
0x5e: {  	_ =	shalt  }
0x5f: {  	_ =	shalt  }
0x60: {  	_ =	shalt  }
0x61: {  	_ =	shalt  }
0x62: {  	_ =	shalt  }
0x63: {  	_ =	shalt  }
0x64: {  	_ =	shalt  }
0x65: {  	_ =	shalt  }
0x66: {  	_ =	shalt  }
0x67: {  	_ =	shalt  }
0x68: {  	_ =	shalt  }
0x69: {  	_ =	shalt  }
0x6a: {  	_ =	shalt  }
0x6b: {  	_ =	shalt  }
0x6c: {  	_ =	shalt  }
0x6d: {  	_ =	shalt  }
0x6e: {  	_ =	shalt  }
0x6f: {  	_ =	shalt  }
0x70: {  	_ =	shalt  }
0x71: {  	_ =	shalt  }
0x72: {  	_ =	shalt  }
0x73: {  	_ =	shalt  }
0x74: {  	_ =	shalt  }
0x75: {  	_ =	shalt  }
0x76: {  	_ =	shalt  }
0x77: {  	_ =	shalt  }
0x78: {  	_ =	shalt  }
0x79: {  	_ =	shalt  }
0x7a: {  	_ =	shalt  }
0x7b: {  	_ =	shalt  }
0x7c: {  	_ =	shalt  }
0x7d: {  	_ =	shalt  }
0x7e: {  	_ =	shalt  }
0x7f: {  	_ =	shalt  }
0x80: {  	_ =	shalt  }
0x81: {  	_ =	shalt  }
0x82: {  	_ =	shalt  }
0x83: {  	_ =	shalt  }
0x84: {  	_ =	shalt  }
0x85: {  	_ =	shalt  }
0x86: {  	_ =	shalt  }
0x87: {  	_ =	shalt  }
.Lfunc_end0:
.L_simem_size_0:
called_computation_lowered:
.L_overlay_start_0:
0x88: {  	s2 =	sld [smem:$0x3FD9]  }
0x89: {  	s3 =	sld [smem:$0x3FFE];
	_ =	sdelay $0x1  }
0x8a: {  	s1 =	srdreg.scid  }
0x8b: {  	s0 =	sand.u32 $0x1, s1  }
0x8c: {  	s17 =	sshll.u32 s0, $0xA;
	s2 =	sadd.s32 s3, s2  }
0x8d: {  	s2 =	sadd.s32 s2, s17  }
0x8e: {  	[smem:$0x3FC7] =	sst s2  }
0x8f: {  	_ = 	snop  }
0x90: {  	s2 =	sld [smem:$0x3FC9];
	(tm) =	ssettm $0x1  }
0x91: {  	s18 =	sld [smem:$0x3FFB];
	_ =	sdelay $0x3  }
0x92: {  	_ =	strace s18  }
0x93: {  	s3 =	sld [smem:$0x3FFC];
	_ =	sdelay $0x3  }
0x94: {  	_ =	strace s3  }
0x95: {  	s3 =	sld [smem:$0x3FFD];
	_ =	sdelay $0x3  }
0x96: {  	_ =	strace s3  }
0x97: {  	_ =	strace $0x8FFFFFFF  }
0x98: {  	s19 =	sld [smem:$0x3FDB];
	_ =	sdelay $0x1  }
0x99: {  	s4 =	simm.s32 $_scs_section_size  }
0x9a: {  	s5 =	simm.s32 $_size__tile_overlayer_lowered;
	s6 =	simm.s32 $_tile_overlayer_lowered  }
0x9b: {  	s22 =	simm.s32 $0x1BFF;
	s21 =	sshll.u32 s6, $0x1;
	s3 =	sadd.s32 s4, s19  }
0x9c: {  	s7 =	simm.s32 $0x0;
	s20 =	sshll.u32 s5, $0x1;
	s5 =	sadd.s32 s21, s3  }
0x9d: {  	[timem:s7], [sflag:s22] =	dma.local [hbm:s5], s20  }
0x9e: {  	_ =	swait.ge [sflag:s22], s20  }
0x9f: {  	s4 =	ssub.s32 $0x0, s20;
	[sflag:s22] =	ssyncset.done $0x0  }
0xa0: {  	[sflag:s22] =	ssyncadd.s32 s4;
	_ =	sdelay $0x1  }
0xa1: {  	s23 =	simm.s32 $0x1B8B  }
0xa2: {  	_ =	swait.ge [sflag:s23], $0x1  }
0xa3: {  	[sflag:s23] =	ssyncset.done $0x0  }
0xa4: {  	s25 =	simm.s32 $0x1B8E;
	s24 =	sld [smem:$0x3FFE];
	[sflag:s23] =	ssyncadd.s32 $0xFFFFFFFF  }
0xa5: {  	s26 =	simm.s32 $execute0_lowered;
	[smem:$0x3FD2] =	sst s25  }
0xa6: {  	s5 =	sshll.u32 s26, $0x1;
	_ =	strace $0x80000046;
	[dreg:$0x1] =	wrdreg $0xFFFFFFFF  }
0xa7: {  	s28 =	simm.s32 $_size_execute0_lowered;
	s3 =	sadd.s32 s3, s5;
	[dreg:$0x0] =	wrdreg $0x0  }
0xa8: {  	s5 =	sshll.u32 s28, $0x1;
	[dreg:$0x2] =	wrdreg s3  }
0xa9: {  	[dreg:$0x3] =	wrdreg s5  }
0xaa: {  	[dreg:$0x4] =	wrdreg $0xC0  }
0xab: {  	_ =	task [dreg:s7], $0x5FFFF  }
0xac: {  	[dreg:$0x1] =	wrdreg $0xFFFFFFFF  }
0xad: {  	[dreg:$0x0] =	wrdreg $0x60  }
0xae: {  	[dreg:$0x2] =	wrdreg s2  }
0xaf: {  	[dreg:$0x3] =	wrdreg s24  }
0xb0: {  	[dreg:$0x4] =	wrdreg $0x9  }
0xb1: {  	_ =	task.clear_ibuf [dreg:s7], $0x5FFFF;
	_ =	strace $0x90000046  }
0xb2: {  	s29 =	simm.s32 $0x9;
	_ =	strace $0x80000048  }
0xb3: {  	_ =	swait.ge [sflag:s29], $0x1  }
0xb4: {  	[sflag:s29] =	ssyncadd.s32 $0xFFFFFFFF  }
0xb5: {  	_ =	strace $0x90000048  }
0xb6: {  	_ =	sfence  }
0xb7: {  	s30 =	sld [smem:$0x0];
	_ =	sdelay $0x2  }
0xb8: {  	s31 =	sshll.u32 s1, $0xD;
	s1 =	sshrl.u32 s1, $0x2  }
0xb9: {  	s3 =	sand.u32 $0x4000, s31;
	s1 =	sadd.s32 s1, s30  }
0xba: {  	s0 =	sor.u32 s3, s0;
	s1 =	sshll.u32 s1, $0x11  }
0xbb: {  	s0 =	sor.u32 s1, s0  }
0xbc: {  	s0 =	sadd.s32 $0x8F2B, s0  }
0xbd: {  	[sflag:s0] =	ssyncadd.remote.s32 $0x1  }
0xbe: {  	_ =	sfence.sel $0xFFFF  }
0xbf: {  	[dreg:$0x0] =	wrdreg $0xFFFFFFFF;
	(pc) =	sbr.abs _section_cstart, $3  }
0xc0: {  	[dreg:$0x1] =	wrdreg $0xFFFFFFFF  }
0xc1: {  	_ =	task.clear_ibuf [dreg:s7], $0x2FFFF;
	_ =	strace $0x9FFFFFFF  }
0xc2: {  	(tm) =	ssettm $0x7FFFFFFF  }
0xc3: {  	_ =	shalt  }
tec
execute0_lowered:
.L_overlay_start_1:
0x0: {  	(tag) =	ssettag $0x1  }
0x1: {  	s0 =	rddreg [dreg:$0x1]  }
0x2: {  	s1 =	srdreg.scid;
	s2 =	stileid.u32;
	s3 =	simm.s32 $0x0  }
0x3: {  	s15 =	simm.s32 $0x3;
	s16 =	simm.s32 $0x1;
	s17 =	simm.s32 $0x880  }
0x4: {  	s18 =	simm.s32 $0x4900;
	s19 =	simm.s32 $0x8980;
	s20 =	simm.s32 $0xCA00  }
0x5: {  	s21 =	simm.s32 $0x2;
	s1 =	sand.u32 $0x1, s1;
	s2 =	sshll.u32 s2, $0x1  }
0x6: {  	s22 =	simm.s32 $0x0;
	s5 =	ssub.s32 $0x2, s1;
	s1 =	sor.u32 s1, s2  }
0x7: {  	[smem:$0x7FF] =	sst s3;
	s31 =	sadd.s32 $0x800, s0;
	s4 =	smul.u32 $0xFFE0, s1  }
0x8: {  	s0 =	sadd.s32 $0x40800, s0;
	_ =	strace $0x80000047;
	s30 =	sshrl.u32 s5, $0x1  }
0x9: {  	s2 =	ssub.s32 s5, s30;
	s5 =	sor.u32 $0x1, s4;
	s9 =	sshrl.u32 s4, $0x3  }
.Ltmp0:
0xa: {  	s8 =	sadd.s32 $0x3FF8, s4;
	s12 =	sadd.s32 $0xBFE8, s4;
	(pc) =	sbr.rel .LBB2_1-.Ltmp0, $4  }
0xb: {  	s14 =	smax.u32 s2, $0x1;
	s6 =	sadd.s32 s31, s9;
	s7 =	sadd.s32 s0, s9  }
0xc: {  	s10 =	sshrl.u32 s8, $0x3;
	s11 =	sadd.s32 $0xFFE, s9;
	s13 =	sshrl.u32 s12, $0x3  }
0xd: {  	s8 =	sadd.s32 s31, s10;
	s9 =	sadd.s32 s0, s10;
	s10 =	sadd.s32 s31, s11  }
0xe: {  	s11 =	sadd.s32 s0, s11;
	s12 =	sadd.s32 s31, s13;
	s13 =	sadd.s32 s0, s13  }
.LBB2_39:
0xf: {  	[hbm4b:s12+s3] =	stream.linear.scatter [tilespmem:s19], [sflag:$0x2], $0x3FF8, $0x38;
	[tilespmem:$0x10A80] =	vst v63  }
0x10: {  	_ = 	snop  }
0x11: {  	[hbm4b:s13+s3] =	stream.linear.scatter [tilespmem:s20], [sflag:$0x2], $0x3FF8, $0x38;
	[tilespmem:$0x10A80] =	vst v63  }
0x12: {  	_ =	swait.ge [sflag:s16], $0x3FF8  }
0x13: {  	[sflag:s16] =	ssyncset.done $0x0  }
0x14: {  	[sflag:s16] =	ssyncadd.s32 $0xFFFFC008  }
0x15: {  	_ =	swait.ge [sflag:s16], $0x3FF8  }
0x16: {  	[sflag:s16] =	ssyncset.done $0x0  }
0x17: {  	s22 =	sadd.s32 $0x1, s22;
	[sflag:s16] =	ssyncadd.s32 $0xFFFFC008  }
0x18: {  	p0 =	sne.s32 s22, s14;
	_ =	swait.ge [sflag:s21], $0x3FF8  }
.Ltmp1:
0x19: {  	[sflag:s21] =	ssyncset.done $0x0;
	(pc) =	sbr.rel @!p0 .LBB2_40-.Ltmp1, $4  }
0x1a: {  	[sflag:s21] =	ssyncadd.s32 $0xFFFFC008  }
0x1b: {  	_ =	swait.ge [sflag:s21], $0x3FF8  }
0x1c: {  	[sflag:s21] =	ssyncset.done $0x0  }
0x1d: {  	[sflag:s21] =	ssyncadd.s32 $0xFFFFC008  }
.LBB2_1:
0x1e: {  	s0 =	rddreg [dreg:$0x0]  }
0x1f: {  	[tilespmem:s3], [sflag:$0x3] =	stream.linear.gather [hbm4b:s0+s3], $0x800, $0x38;
	[tilespmem:$0x10A80] =	vst v63  }
0x20: {  	_ =	swait.ge [sflag:s15], $0x800  }
0x21: {  	s23 =	simm.s32 $0x7FF;
	s1 =	simm.s32 $0x7FF;
	[sflag:s15] =	ssyncset.done $0x0  }
0x22: {  	s24 =	simm.s32 $0xA;
	s0 =	simm.s32 $0x0;
	[sflag:s15] =	ssyncadd.s32 $0xFFFFF800  }
.LBB2_2:
0x23: {  	s2 =	smov.u32 s0;
	p0 =	sne.s32 s24, $0x1  }
0x24: {  	s0 =	sadd.s32 $0x1, s1;
	p1 =	slt.u32 s1, $0x7FFFFFFF;
	s1 =	simm.s32 $0x1  }
0x25: {  	s1 =	simm.s32 @!p1 $0x0;
	s25 =	sshra.s32 s0, $0x1F  }
0x26: {  	s1 =	sadd.s32 s1, s25;
	s25 =	sand.u32 $0x1, s0  }
0x27: {  	p1 =	sne.s32 s1, $0x1;
	p2 =	seq.s32 s25, $0x1  }
0x28: {  	s1 =	sshrl.u32 s0, $0x1F;
	p1 =	por !p1, !p2  }
0x29: {  	s0 =	sadd.s32 s1, s0;
	s1 =	simm.s32 $0x1;
	p1 =	por !p1, !p1  }
0x2a: {  	s0 =	sshra.s32 s0, $0x1;
	s1 =	simm.s32 @!p1 $0x0  }
0x2b: {  	s0 =	ssub.s32 s0, s1  }
0x2c: {  	s1 =	ssub.s32 $0xFFF, s0  }
0x2d: {  	s1 =	smul.u32 s0, s1;
	_ =	sdelay $0x1  }
0x2e: {  	s25 =	sand.u32 $0x1, s1  }
0x2f: {  	p1 =	slt.s32 s1, $0x1;
	p2 =	seq.s32 s25, $0x1  }
0x30: {  	s25 =	sshrl.u32 s1, $0x1F;
	p1 =	por !p1, !p2  }
0x31: {  	s1 =	sadd.s32 s25, s1;
	s25 =	simm.s32 $0x1;
	p1 =	por !p1, !p1  }
.Ltmp2:
0x32: {  	s1 =	sshra.s32 s1, $0x1;
	s25 =	simm.s32 @!p1 $0x0;
	(pc) =	sbr.rel @p0 .LBB2_2-.Ltmp2, $4  }
0x33: {  	s1 =	ssub.s32 s1, s25  }
0x34: {  	p1 =	sgt.s32 s1, s4;
	s1 =	sadd.s32 $0xFFFFFFFF, s0  }
0x35: {  	s0 =	smov.u32 @p1 s2;
	s23 =	smov.u32 @p1 s1  }
0x36: {  	s24 =	sadd.s32 $0xFFFFFFFF, s24;
	s1 =	sadd.s32 s0, s23  }
0x37: {  	s2 =	sadd.s32 $0x1, s1;
	p0 =	slt.u32 s1, $0x7FFFFFFF;
	s1 =	simm.s32 $0x1  }
0x38: {  	s1 =	simm.s32 @!p0 $0x0;
	s23 =	sshra.s32 s2, $0x1F  }
0x39: {  	s31 =	sand.u32 $0x1, s2;
	s1 =	sadd.s32 s1, s23  }
0x3a: {  	p1 =	seq.s32 s31, $0x1;
	p2 =	sne.s32 s1, $0x1  }
0x3b: {  	s24 =	sshrl.u32 s2, $0x1F;
	p0 =	por !p2, !p1  }
0x3c: {  	s1 =	sadd.s32 s24, s2;
	s2 =	simm.s32 $0x1;
	p0 =	por !p0, !p0  }
0x3d: {  	s1 =	sshra.s32 s1, $0x1;
	s2 =	simm.s32 @!p0 $0x0  }
0x3e: {  	s24 =	ssub.s32 s1, s2  }
0x3f: {  	s1 =	ssub.s32 $0xFFF, s24  }
0x40: {  	s1 =	smul.u32 s24, s1;
	_ =	sdelay $0x1  }
0x41: {  	s25 =	sand.u32 $0x1, s1  }
0x42: {  	p3 =	slt.s32 s1, $0x1;
	p4 =	seq.s32 s25, $0x1  }
0x43: {  	s26 =	sshrl.u32 s1, $0x1F;
	p0 =	por !p3, !p4  }
0x44: {  	s2 =	simm.s32 $0x1;
	s1 =	sadd.s32 s26, s1;
	p0 =	por !p0, !p0  }
0x45: {  	s1 =	sshra.s32 s1, $0x1;
	s2 =	simm.s32 @!p0 $0x0  }
0x46: {  	s1 =	ssub.s32 s1, s2  }
0x47: {  	p0 =	sgt.s32 s1, s4  }
0x48: {  	s24 =	smov.u32 @p0 s0  }
0x49: {  	s0 =	ssub.s32 $0xFFF, s24  }
0x4a: {  	s0 =	smul.u32 s24, s0;
	_ =	sdelay $0x1  }
0x4b: {  	s28 =	sshrl.u32 s0, $0x1F;
	s29 =	sand.u32 $0x1, s0  }
.Ltmp3:
0x4c: {  	p5 =	slt.s32 s0, $0x1;
	p6 =	seq.s32 s29, $0x1;
	(pc) =	sbr.rel .LBB2_4-.Ltmp3, $4  }
0x4d: {  	s31 =	sadd.s32 s24, s5;
	s1 =	sadd.s32 s28, s0;
	p0 =	por !p5, !p6  }
0x4e: {  	s30 =	sshra.s32 s1, $0x1;
	s1 =	simm.s32 $0x1;
	p0 =	por !p0, !p0  }
0x4f: {  	s0 =	ssub.s32 s31, s30;
	s1 =	simm.s32 @!p0 $0x0  }
0x50: {  	s26 =	simm.s32 $0x0;
	s23 =	sadd.s32 s1, s0  }
.LBB2_6:
0x51: {  	s30 =	smov.u32 s1  }
.LBB2_10:
0x52: {  	v4 =	vld [tilespmem:s0+$0x0];
	[tilespmem:s31+$0xFFFFFFE0] =	vst v0  }
0x53: {  	[tilespmem:s31+$0xFFFFFFF0] =	vst v0  }
0x54: {  	[tilespmem:s31+$0x0] =	vst v0;
	s0 =	sadd.s32 @p0 $0x40, s30  }
0x55: {  	[tilespmem:s31+$0x10] =	vst v0;
	s1 =	smov.u32 @p0 s0  }
0x56: {  	[tilespmem:s1+$0x10] =	vst v3  }
0x57: {  	[tilespmem:s1+$0xFFFFFFE0] =	vst v1  }
0x58: {  	[tilespmem:s1+$0xFFFFFFF0] =	vst v2  }
0x59: {  	[tilespmem:s1+$0x0] =	vst v4  }
.LBB2_11:
0x5a: {  	s26 =	sadd.s32 s26, s28  }
0x5b: {  	p1 =	slt.s32 s26, $0x3FF8  }
.Ltmp4:
0x5c: {  	_ = 	snop;
	(pc) =	sbr.rel @!p1 .LBB2_12-.Ltmp4, $4  }
0x5d: {  	p0 =	sle.s32 s25, s29;
	s0 =	simm.s32 $0x1  }
0x5e: {  	s0 =	simm.s32 @!p0 $0x0  }
0x5f: {  	s23 =	sadd.s32 s23, s28;
	s25 =	sadd.s32 s0, s24;
	s0 =	sadd.s32 $0x2, s24  }
0x60: {  	s23 =	smov.u32 @p0 s0;
	s24 =	smov.u32 s25  }
.LBB2_4:
0x61: {  	s25 =	ssub.s32 $0x800, s23;
	s29 =	ssub.s32 $0x3FF8, s26  }
0x62: {  	p0 =	slt.s32 s25, s29;
	s28 =	smov.u32 s29  }
0x63: {  	s28 =	smov.u32 @p0 s25  }
0x64: {  	s0 =	sadd.s32 $0x3F, s28  }
0x65: {  	s1 =	sand.u32 $0x3F, s0  }
0x66: {  	s31 =	sshra.s32 s0, $0x1F;
	p1 =	slt.s32 s0, $0x1;
	p6 =	sne.s32 s1, $0x0  }
0x67: {  	s1 =	sshrl.u32 s31, $0x1A;
	p0 =	por !p1, !p6  }
0x68: {  	s0 =	sadd.s32 s1, s0;
	s1 =	simm.s32 $0x1;
	p0 =	por !p0, !p0  }
0x69: {  	s0 =	sshra.s32 s0, $0x6;
	s1 =	simm.s32 @!p0 $0x0  }
0x6a: {  	s2 =	ssub.s32 s0, s1  }
0x6b: {  	p0 =	slt.s32 s2, $0x1  }
.Ltmp5:
0x6c: {  	_ = 	snop;
	(pc) =	sbr.rel @p0 .LBB2_11-.Ltmp5, $1  }
0x6d: {  	_ =	sdelay $0x3  }
0x6e: {  	v0 =	vmov s24;
	_ =	sdelay $0x3  }
0x6f: {  	s0 =	sshll.u32 s23, $0x2;
	p1 =	sne.s32 s2, $0x1  }
.Ltmp6:
0x70: {  	s0 =	sshra.s32 s0, $0x2;
	v0 =	vld.idx.msk [tilespmem:v0+s3+$0x0], $0xffff;
	(pc) =	sbr.rel @!p1 .LBB2_6-.Ltmp6, $4  }
0x71: {  	s0 =	sadd.s32 $0x20, s0  }
0x72: {  	s1 =	sshll.u32 s26, $0x2;
	v1 =	vld [tilespmem:s0+$0xFFFFFFE0]  }
0x73: {  	s2 =	sadd.s32 $0xFFFFFFFF, s2;
	s1 =	sshra.s32 s1, $0x2;
	v2 =	vld [tilespmem:s0+$0xFFFFFFF0]  }
0x74: {  	p0 =	por $0x0, $0x0;
	s31 =	sadd.s32 $0x8A0, s1;
	s1 =	sadd.s32 $0x4920, s1;
	v3 =	vld [tilespmem:s0+$0x10]  }
0x75: {  	v4 =	vld [tilespmem:s0+$0x0];
	[tilespmem:s31+$0xFFFFFFE0] =	vst v0  }
0x76: {  	[tilespmem:s31+$0xFFFFFFF0] =	vst v0  }
0x77: {  	[tilespmem:s31+$0x0] =	vst v0  }
0x78: {  	[tilespmem:s31+$0x10] =	vst v0  }
0x79: {  	[tilespmem:s1+$0xFFFFFFE0] =	vst v1  }
0x7a: {  	p1 =	sne.s32 s2, $0x1;
	[tilespmem:s1+$0xFFFFFFF0] =	vst v2  }
.Ltmp7:
0x7b: {  	[tilespmem:s1+$0x10] =	vst v3;
	(pc) =	sbr.rel @!p1 .LBB2_8-.Ltmp7, $4  }
0x7c: {  	s0 =	sadd.s32 $0x40, s0;
	[tilespmem:s1+$0x0] =	vst v4  }
0x7d: {  	v1 =	vld [tilespmem:s0+$0xFFFFFFE0]  }
0x7e: {  	s2 =	sadd.s32 $0xFFFFFFFF, s2;
	v2 =	vld [tilespmem:s0+$0xFFFFFFF0]  }
0x7f: {  	s31 =	sadd.s32 $0x40, s31;
	p0 =	por $0x1, $0x1;
	s30 =	smov.u32 s1;
	v3 =	vld [tilespmem:s0+$0x10]  }
.LBB2_9:
0x80: {  	p1 =	sne.s32 s2, $0x1;
	v4 =	vld [tilespmem:s0+$0x0];
	[tilespmem:s31+$0xFFFFFFE0] =	vst v0  }
0x81: {  	[tilespmem:s31+$0xFFFFFFF0] =	vst v0  }
0x82: {  	[tilespmem:s31+$0x0] =	vst v0  }
0x83: {  	s30 =	sadd.s32 $0x40, s30;
	[tilespmem:s31+$0x10] =	vst v0  }
0x84: {  	[tilespmem:s30+$0x10] =	vst v3  }
0x85: {  	[tilespmem:s30+$0xFFFFFFE0] =	vst v1  }
.Ltmp8:
0x86: {  	[tilespmem:s30+$0xFFFFFFF0] =	vst v2;
	(pc) =	sbr.rel @p1 .LBB2_9-.Ltmp8, $4  }
0x87: {  	s0 =	sadd.s32 $0x40, s0;
	[tilespmem:s30+$0x0] =	vst v4  }
0x88: {  	v1 =	vld [tilespmem:s0+$0xFFFFFFE0]  }
0x89: {  	v2 =	vld [tilespmem:s0+$0xFFFFFFF0]  }
0x8a: {  	s2 =	sadd.s32 $0xFFFFFFFF, s2;
	s31 =	sadd.s32 $0x40, s31;
	v3 =	vld [tilespmem:s0+$0x10]  }
.Ltmp9:
0x8b: {  	_ = 	snop;
	(pc) =	sbr.rel .LBB2_10-.Ltmp9, $1  }
0x8c: {  	_ =	sdelay $0x3  }
.LBB2_8:
.Ltmp10:
0x8d: {  	(pc) =	sbr.rel .LBB2_10-.Ltmp10, $2  }
0x8e: {  	_ =	sdelay $0x2  }
0x8f: {  	s30 =	smov.u32 s1  }
.LBB2_12:
.Ltmp11:
0x90: {  	(pc) =	sbr.rel .LBB2_13-.Ltmp11, $4  }
0x91: {  	s26 =	simm.s32 $0x0  }
0x92: {  	[hbm4b:s6+s26] =	stream.linear.scatter [tilespmem:s17], [sflag:$0x1], $0x3FF8, $0x38;
	[tilespmem:$0x10A80] =	vst v63  }
0x93: {  	_ = 	snop  }
0x94: {  	[hbm4b:s7+s26] =	stream.linear.scatter [tilespmem:s18], [sflag:$0x1], $0x3FF8, $0x38;
	[tilespmem:$0x10A80] =	vst v63  }
.LBB2_15:
0x95: {  	s1 =	smov.u32 s30  }
.LBB2_19:
0x96: {  	v4 =	vld [tilespmem:s0+$0x0];
	[tilespmem:s31+$0xFFFFFFE0] =	vst v0  }
0x97: {  	[tilespmem:s31+$0xFFFFFFF0] =	vst v0  }
0x98: {  	[tilespmem:s31+$0x0] =	vst v0;
	s0 =	sadd.s32 @p0 $0x40, s1  }
0x99: {  	[tilespmem:s31+$0x10] =	vst v0;
	s30 =	smov.u32 @p0 s0  }
0x9a: {  	[tilespmem:s30+$0x10] =	vst v3  }
0x9b: {  	[tilespmem:s30+$0xFFFFFFE0] =	vst v1  }
0x9c: {  	[tilespmem:s30+$0xFFFFFFF0] =	vst v2  }
0x9d: {  	[tilespmem:s30+$0x0] =	vst v4  }
.LBB2_20:
0x9e: {  	s26 =	sadd.s32 s26, s28  }
0x9f: {  	p1 =	slt.s32 s26, $0x3FF8  }
.Ltmp12:
0xa0: {  	_ = 	snop;
	(pc) =	sbr.rel @!p1 .LBB2_21-.Ltmp12, $4  }
0xa1: {  	p0 =	sle.s32 s24, s29;
	s0 =	simm.s32 $0x1  }
0xa2: {  	s0 =	simm.s32 @!p0 $0x0  }
0xa3: {  	s23 =	sadd.s32 s23, s28;
	s24 =	sadd.s32 s0, s25;
	s0 =	sadd.s32 $0x2, s25  }
0xa4: {  	s23 =	smov.u32 @p0 s0;
	s25 =	smov.u32 s24  }
.LBB2_13:
0xa5: {  	s24 =	ssub.s32 $0x800, s23;
	s29 =	ssub.s32 $0x3FF8, s26  }
0xa6: {  	p0 =	slt.s32 s24, s29;
	s28 =	smov.u32 s29  }
0xa7: {  	s28 =	smov.u32 @p0 s24  }
0xa8: {  	s0 =	sadd.s32 $0x3F, s28  }
0xa9: {  	s1 =	sand.u32 $0x3F, s0  }
0xaa: {  	s31 =	sshra.s32 s0, $0x1F;
	p1 =	slt.s32 s0, $0x1;
	p6 =	sne.s32 s1, $0x0  }
0xab: {  	s1 =	sshrl.u32 s31, $0x1A;
	p0 =	por !p1, !p6  }
0xac: {  	s0 =	sadd.s32 s1, s0;
	s1 =	simm.s32 $0x1;
	p0 =	por !p0, !p0  }
0xad: {  	s0 =	sshra.s32 s0, $0x6;
	s1 =	simm.s32 @!p0 $0x0  }
0xae: {  	s1 =	ssub.s32 s0, s1  }
0xaf: {  	p0 =	slt.s32 s1, $0x1  }
.Ltmp13:
0xb0: {  	_ = 	snop;
	(pc) =	sbr.rel @p0 .LBB2_20-.Ltmp13, $1  }
0xb1: {  	_ =	sdelay $0x3  }
0xb2: {  	v0 =	vmov s25;
	_ =	sdelay $0x3  }
0xb3: {  	s0 =	sshll.u32 s23, $0x2;
	p1 =	sne.s32 s1, $0x1  }
.Ltmp14:
0xb4: {  	s0 =	sshra.s32 s0, $0x2;
	v0 =	vld.idx.msk [tilespmem:v0+s3+$0x0], $0xffff;
	(pc) =	sbr.rel @!p1 .LBB2_15-.Ltmp14, $4  }
0xb5: {  	s0 =	sadd.s32 $0x20, s0  }
0xb6: {  	s2 =	sshll.u32 s26, $0x2;
	v1 =	vld [tilespmem:s0+$0xFFFFFFE0]  }
0xb7: {  	s1 =	sadd.s32 $0xFFFFFFFF, s1;
	s2 =	sshra.s32 s2, $0x2;
	v2 =	vld [tilespmem:s0+$0xFFFFFFF0]  }
0xb8: {  	p0 =	por $0x0, $0x0;
	s31 =	sadd.s32 $0x89A0, s2;
	s30 =	sadd.s32 $0xCA20, s2;
	v3 =	vld [tilespmem:s0+$0x10]  }
0xb9: {  	v4 =	vld [tilespmem:s0+$0x0];
	[tilespmem:s31+$0xFFFFFFE0] =	vst v0  }
0xba: {  	[tilespmem:s31+$0xFFFFFFF0] =	vst v0  }
0xbb: {  	[tilespmem:s31+$0x0] =	vst v0  }
0xbc: {  	[tilespmem:s31+$0x10] =	vst v0  }
0xbd: {  	[tilespmem:s30+$0xFFFFFFE0] =	vst v1  }
0xbe: {  	p1 =	sne.s32 s1, $0x1;
	[tilespmem:s30+$0xFFFFFFF0] =	vst v2  }
.Ltmp15:
0xbf: {  	[tilespmem:s30+$0x10] =	vst v3;
	(pc) =	sbr.rel @!p1 .LBB2_17-.Ltmp15, $4  }
0xc0: {  	s0 =	sadd.s32 $0x40, s0;
	[tilespmem:s30+$0x0] =	vst v4  }
0xc1: {  	v1 =	vld [tilespmem:s0+$0xFFFFFFE0]  }
0xc2: {  	s2 =	sadd.s32 $0xFFFFFFFF, s1;
	v2 =	vld [tilespmem:s0+$0xFFFFFFF0]  }
0xc3: {  	s31 =	sadd.s32 $0x40, s31;
	p0 =	por $0x1, $0x1;
	s1 =	smov.u32 s30;
	v3 =	vld [tilespmem:s0+$0x10]  }
.LBB2_18:
0xc4: {  	p1 =	sne.s32 s2, $0x1;
	v4 =	vld [tilespmem:s0+$0x0];
	[tilespmem:s31+$0xFFFFFFE0] =	vst v0  }
0xc5: {  	[tilespmem:s31+$0xFFFFFFF0] =	vst v0  }
0xc6: {  	[tilespmem:s31+$0x0] =	vst v0  }
0xc7: {  	s1 =	sadd.s32 $0x40, s1;
	[tilespmem:s31+$0x10] =	vst v0  }
0xc8: {  	[tilespmem:s1+$0x10] =	vst v3  }
0xc9: {  	[tilespmem:s1+$0xFFFFFFE0] =	vst v1  }
.Ltmp16:
0xca: {  	[tilespmem:s1+$0xFFFFFFF0] =	vst v2;
	(pc) =	sbr.rel @p1 .LBB2_18-.Ltmp16, $4  }
0xcb: {  	s0 =	sadd.s32 $0x40, s0;
	[tilespmem:s1+$0x0] =	vst v4  }
0xcc: {  	v1 =	vld [tilespmem:s0+$0xFFFFFFE0]  }
0xcd: {  	v2 =	vld [tilespmem:s0+$0xFFFFFFF0]  }
0xce: {  	s2 =	sadd.s32 $0xFFFFFFFF, s2;
	s31 =	sadd.s32 $0x40, s31;
	v3 =	vld [tilespmem:s0+$0x10]  }
.Ltmp17:
0xcf: {  	_ = 	snop;
	(pc) =	sbr.rel .LBB2_19-.Ltmp17, $1  }
0xd0: {  	_ =	sdelay $0x3  }
.LBB2_17:
.Ltmp18:
0xd1: {  	(pc) =	sbr.rel .LBB2_19-.Ltmp18, $2  }
0xd2: {  	_ =	sdelay $0x2  }
0xd3: {  	s1 =	smov.u32 s30  }
.LBB2_21:
0xd4: {  	s26 =	simm.s32 $0x0  }
0xd5: {  	[hbm4b:s8+s26] =	stream.linear.scatter [tilespmem:s19], [sflag:$0x2], $0x3FF8, $0x38;
	[tilespmem:$0x10A80] =	vst v63  }
0xd6: {  	_ = 	snop  }
0xd7: {  	[hbm4b:s9+s26] =	stream.linear.scatter [tilespmem:s20], [sflag:$0x2], $0x3FF8, $0x38;
	[tilespmem:$0x10A80] =	vst v63  }
0xd8: {  	_ =	swait.ge [sflag:s16], $0x3FF8  }
.Ltmp19:
0xd9: {  	[sflag:s16] =	ssyncset.done $0x0;
	(pc) =	sbr.rel .LBB2_22-.Ltmp19, $4  }
0xda: {  	[sflag:s16] =	ssyncadd.s32 $0xFFFFC008  }
0xdb: {  	_ =	swait.ge [sflag:s16], $0x3FF8  }
0xdc: {  	[sflag:s16] =	ssyncset.done $0x0  }
0xdd: {  	[sflag:s16] =	ssyncadd.s32 $0xFFFFC008  }
.LBB2_24:
0xde: {  	s1 =	smov.u32 s30  }
.LBB2_28:
0xdf: {  	v4 =	vld [tilespmem:s0+$0x0];
	[tilespmem:s31+$0xFFFFFFE0] =	vst v0  }
0xe0: {  	[tilespmem:s31+$0xFFFFFFF0] =	vst v0  }
0xe1: {  	[tilespmem:s31+$0x0] =	vst v0;
	s0 =	sadd.s32 @p0 $0x40, s1  }
0xe2: {  	[tilespmem:s31+$0x10] =	vst v0;
	s30 =	smov.u32 @p0 s0  }
0xe3: {  	[tilespmem:s30+$0x10] =	vst v3  }
0xe4: {  	[tilespmem:s30+$0xFFFFFFE0] =	vst v1  }
0xe5: {  	[tilespmem:s30+$0xFFFFFFF0] =	vst v2  }
0xe6: {  	[tilespmem:s30+$0x0] =	vst v4  }
.LBB2_29:
0xe7: {  	s26 =	sadd.s32 s26, s28  }
0xe8: {  	p1 =	slt.s32 s26, $0x3FF8  }
.Ltmp20:
0xe9: {  	_ = 	snop;
	(pc) =	sbr.rel @!p1 .LBB2_30-.Ltmp20, $4  }
0xea: {  	p0 =	sle.s32 s25, s29;
	s0 =	simm.s32 $0x1  }
0xeb: {  	s0 =	simm.s32 @!p0 $0x0  }
0xec: {  	s23 =	sadd.s32 s23, s28;
	s25 =	sadd.s32 s0, s24;
	s0 =	sadd.s32 $0x2, s24  }
0xed: {  	s23 =	smov.u32 @p0 s0;
	s24 =	smov.u32 s25  }
.LBB2_22:
0xee: {  	s25 =	ssub.s32 $0x800, s23;
	s29 =	ssub.s32 $0x3FF8, s26  }
0xef: {  	p0 =	slt.s32 s25, s29;
	s28 =	smov.u32 s29  }
0xf0: {  	s28 =	smov.u32 @p0 s25  }
0xf1: {  	s0 =	sadd.s32 $0x3F, s28  }
0xf2: {  	s1 =	sand.u32 $0x3F, s0  }
0xf3: {  	s31 =	sshra.s32 s0, $0x1F;
	p1 =	slt.s32 s0, $0x1;
	p6 =	sne.s32 s1, $0x0  }
0xf4: {  	s1 =	sshrl.u32 s31, $0x1A;
	p0 =	por !p1, !p6  }
0xf5: {  	s0 =	sadd.s32 s1, s0;
	s1 =	simm.s32 $0x1;
	p0 =	por !p0, !p0  }
0xf6: {  	s0 =	sshra.s32 s0, $0x6;
	s1 =	simm.s32 @!p0 $0x0  }
0xf7: {  	s1 =	ssub.s32 s0, s1  }
0xf8: {  	p0 =	slt.s32 s1, $0x1  }
.Ltmp21:
0xf9: {  	_ = 	snop;
	(pc) =	sbr.rel @p0 .LBB2_29-.Ltmp21, $1  }
0xfa: {  	_ =	sdelay $0x3  }
0xfb: {  	v0 =	vmov s24;
	_ =	sdelay $0x3  }
0xfc: {  	s0 =	sshll.u32 s23, $0x2;
	p1 =	sne.s32 s1, $0x1  }
.Ltmp22:
0xfd: {  	s0 =	sshra.s32 s0, $0x2;
	v0 =	vld.idx.msk [tilespmem:v0+s3+$0x0], $0xffff;
	(pc) =	sbr.rel @!p1 .LBB2_24-.Ltmp22, $4  }
0xfe: {  	s0 =	sadd.s32 $0x20, s0  }
0xff: {  	s2 =	sshll.u32 s26, $0x2;
	v1 =	vld [tilespmem:s0+$0xFFFFFFE0]  }
0x100: {  	s1 =	sadd.s32 $0xFFFFFFFF, s1;
	s2 =	sshra.s32 s2, $0x2;
	v2 =	vld [tilespmem:s0+$0xFFFFFFF0]  }
0x101: {  	p0 =	por $0x0, $0x0;
	s31 =	sadd.s32 $0x8A0, s2;
	s30 =	sadd.s32 $0x4920, s2;
	v3 =	vld [tilespmem:s0+$0x10]  }
0x102: {  	v4 =	vld [tilespmem:s0+$0x0];
	[tilespmem:s31+$0xFFFFFFE0] =	vst v0  }
0x103: {  	[tilespmem:s31+$0xFFFFFFF0] =	vst v0  }
0x104: {  	[tilespmem:s31+$0x0] =	vst v0  }
0x105: {  	[tilespmem:s31+$0x10] =	vst v0  }
0x106: {  	[tilespmem:s30+$0xFFFFFFE0] =	vst v1  }
0x107: {  	p1 =	sne.s32 s1, $0x1;
	[tilespmem:s30+$0xFFFFFFF0] =	vst v2  }
.Ltmp23:
0x108: {  	[tilespmem:s30+$0x10] =	vst v3;
	(pc) =	sbr.rel @!p1 .LBB2_26-.Ltmp23, $4  }
0x109: {  	s0 =	sadd.s32 $0x40, s0;
	[tilespmem:s30+$0x0] =	vst v4  }
0x10a: {  	v1 =	vld [tilespmem:s0+$0xFFFFFFE0]  }
0x10b: {  	s2 =	sadd.s32 $0xFFFFFFFF, s1;
	v2 =	vld [tilespmem:s0+$0xFFFFFFF0]  }
0x10c: {  	s31 =	sadd.s32 $0x40, s31;
	p0 =	por $0x1, $0x1;
	s1 =	smov.u32 s30;
	v3 =	vld [tilespmem:s0+$0x10]  }
.LBB2_27:
0x10d: {  	p1 =	sne.s32 s2, $0x1;
	v4 =	vld [tilespmem:s0+$0x0];
	[tilespmem:s31+$0xFFFFFFE0] =	vst v0  }
0x10e: {  	[tilespmem:s31+$0xFFFFFFF0] =	vst v0  }
0x10f: {  	[tilespmem:s31+$0x0] =	vst v0  }
0x110: {  	s1 =	sadd.s32 $0x40, s1;
	[tilespmem:s31+$0x10] =	vst v0  }
0x111: {  	[tilespmem:s1+$0x10] =	vst v3  }
0x112: {  	[tilespmem:s1+$0xFFFFFFE0] =	vst v1  }
.Ltmp24:
0x113: {  	[tilespmem:s1+$0xFFFFFFF0] =	vst v2;
	(pc) =	sbr.rel @p1 .LBB2_27-.Ltmp24, $4  }
0x114: {  	s0 =	sadd.s32 $0x40, s0;
	[tilespmem:s1+$0x0] =	vst v4  }
0x115: {  	v1 =	vld [tilespmem:s0+$0xFFFFFFE0]  }
0x116: {  	v2 =	vld [tilespmem:s0+$0xFFFFFFF0]  }
0x117: {  	s2 =	sadd.s32 $0xFFFFFFFF, s2;
	s31 =	sadd.s32 $0x40, s31;
	v3 =	vld [tilespmem:s0+$0x10]  }
.Ltmp25:
0x118: {  	_ = 	snop;
	(pc) =	sbr.rel .LBB2_28-.Ltmp25, $1  }
0x119: {  	_ =	sdelay $0x3  }
.LBB2_26:
.Ltmp26:
0x11a: {  	(pc) =	sbr.rel .LBB2_28-.Ltmp26, $2  }
0x11b: {  	_ =	sdelay $0x2  }
0x11c: {  	s1 =	smov.u32 s30  }
.LBB2_30:
0x11d: {  	s24 =	simm.s32 $0x0  }
0x11e: {  	[hbm4b:s10+s24] =	stream.linear.scatter [tilespmem:s17], [sflag:$0x1], $0x3FF8, $0x38;
	[tilespmem:$0x10A80] =	vst v63  }
0x11f: {  	_ = 	snop  }
0x120: {  	[hbm4b:s11+s24] =	stream.linear.scatter [tilespmem:s18], [sflag:$0x1], $0x3FF8, $0x38;
	[tilespmem:$0x10A80] =	vst v63  }
0x121: {  	_ =	swait.ge [sflag:s21], $0x3FF8  }
.Ltmp27:
0x122: {  	[sflag:s21] =	ssyncset.done $0x0;
	(pc) =	sbr.rel .LBB2_31-.Ltmp27, $4  }
0x123: {  	[sflag:s21] =	ssyncadd.s32 $0xFFFFC008  }
0x124: {  	_ =	swait.ge [sflag:s21], $0x3FF8  }
0x125: {  	[sflag:s21] =	ssyncset.done $0x0  }
0x126: {  	[sflag:s21] =	ssyncadd.s32 $0xFFFFC008  }
.LBB2_33:
0x127: {  	s1 =	smov.u32 s30  }
.LBB2_37:
0x128: {  	v4 =	vld [tilespmem:s0+$0x0];
	[tilespmem:s31+$0xFFFFFFE0] =	vst v0  }
0x129: {  	[tilespmem:s31+$0xFFFFFFF0] =	vst v0  }
0x12a: {  	[tilespmem:s31+$0x0] =	vst v0;
	s0 =	sadd.s32 @p0 $0x40, s1  }
0x12b: {  	[tilespmem:s31+$0x10] =	vst v0;
	s30 =	smov.u32 @p0 s0  }
0x12c: {  	[tilespmem:s30+$0x10] =	vst v3  }
0x12d: {  	[tilespmem:s30+$0xFFFFFFE0] =	vst v1  }
0x12e: {  	[tilespmem:s30+$0xFFFFFFF0] =	vst v2  }
0x12f: {  	[tilespmem:s30+$0x0] =	vst v4  }
.LBB2_38:
0x130: {  	s24 =	sadd.s32 s24, s26  }
0x131: {  	p1 =	slt.s32 s24, $0x3FF8  }
.Ltmp28:
0x132: {  	_ = 	snop;
	(pc) =	sbr.rel @!p1 .LBB2_39-.Ltmp28, $4  }
0x133: {  	p0 =	sle.s32 s28, s29;
	s0 =	simm.s32 $0x1  }
0x134: {  	s0 =	simm.s32 @!p0 $0x0  }
0x135: {  	s1 =	sadd.s32 $0x2, s25;
	s23 =	sadd.s32 s23, s26;
	s0 =	sadd.s32 s0, s25  }
0x136: {  	s23 =	smov.u32 @p0 s1;
	s25 =	smov.u32 s0  }
.LBB2_31:
0x137: {  	s28 =	ssub.s32 $0x800, s23;
	s29 =	ssub.s32 $0x3FF8, s24  }
0x138: {  	p0 =	slt.s32 s28, s29;
	s26 =	smov.u32 s29  }
0x139: {  	s26 =	smov.u32 @p0 s28  }
0x13a: {  	s0 =	sadd.s32 $0x3F, s26  }
0x13b: {  	s1 =	sand.u32 $0x3F, s0  }
0x13c: {  	s31 =	sshra.s32 s0, $0x1F;
	p1 =	slt.s32 s0, $0x1;
	p6 =	sne.s32 s1, $0x0  }
0x13d: {  	s1 =	sshrl.u32 s31, $0x1A;
	p0 =	por !p1, !p6  }
0x13e: {  	s0 =	sadd.s32 s1, s0;
	s1 =	simm.s32 $0x1;
	p0 =	por !p0, !p0  }
0x13f: {  	s0 =	sshra.s32 s0, $0x6;
	s1 =	simm.s32 @!p0 $0x0  }
0x140: {  	s1 =	ssub.s32 s0, s1  }
0x141: {  	p0 =	slt.s32 s1, $0x1  }
.Ltmp29:
0x142: {  	_ = 	snop;
	(pc) =	sbr.rel @p0 .LBB2_38-.Ltmp29, $1  }
0x143: {  	_ =	sdelay $0x3  }
0x144: {  	v0 =	vmov s25;
	_ =	sdelay $0x3  }
0x145: {  	s0 =	sshll.u32 s23, $0x2;
	p1 =	sne.s32 s1, $0x1  }
.Ltmp30:
0x146: {  	s0 =	sshra.s32 s0, $0x2;
	v0 =	vld.idx.msk [tilespmem:v0+s3+$0x0], $0xffff;
	(pc) =	sbr.rel @!p1 .LBB2_33-.Ltmp30, $4  }
0x147: {  	s0 =	sadd.s32 $0x20, s0  }
0x148: {  	s2 =	sshll.u32 s24, $0x2;
	v1 =	vld [tilespmem:s0+$0xFFFFFFE0]  }
0x149: {  	s1 =	sadd.s32 $0xFFFFFFFF, s1;
	s2 =	sshra.s32 s2, $0x2;
	v2 =	vld [tilespmem:s0+$0xFFFFFFF0]  }
0x14a: {  	p0 =	por $0x0, $0x0;
	s31 =	sadd.s32 $0x89A0, s2;
	s30 =	sadd.s32 $0xCA20, s2;
	v3 =	vld [tilespmem:s0+$0x10]  }
0x14b: {  	v4 =	vld [tilespmem:s0+$0x0];
	[tilespmem:s31+$0xFFFFFFE0] =	vst v0  }
0x14c: {  	[tilespmem:s31+$0xFFFFFFF0] =	vst v0  }
0x14d: {  	[tilespmem:s31+$0x0] =	vst v0  }
0x14e: {  	[tilespmem:s31+$0x10] =	vst v0  }
0x14f: {  	[tilespmem:s30+$0xFFFFFFE0] =	vst v1  }
0x150: {  	p1 =	sne.s32 s1, $0x1;
	[tilespmem:s30+$0xFFFFFFF0] =	vst v2  }
.Ltmp31:
0x151: {  	[tilespmem:s30+$0x10] =	vst v3;
	(pc) =	sbr.rel @!p1 .LBB2_35-.Ltmp31, $4  }
0x152: {  	s0 =	sadd.s32 $0x40, s0;
	[tilespmem:s30+$0x0] =	vst v4  }
0x153: {  	v1 =	vld [tilespmem:s0+$0xFFFFFFE0]  }
0x154: {  	s2 =	sadd.s32 $0xFFFFFFFF, s1;
	v2 =	vld [tilespmem:s0+$0xFFFFFFF0]  }
0x155: {  	s31 =	sadd.s32 $0x40, s31;
	p0 =	por $0x1, $0x1;
	s1 =	smov.u32 s30;
	v3 =	vld [tilespmem:s0+$0x10]  }
.LBB2_36:
0x156: {  	p1 =	sne.s32 s2, $0x1;
	v4 =	vld [tilespmem:s0+$0x0];
	[tilespmem:s31+$0xFFFFFFE0] =	vst v0  }
0x157: {  	[tilespmem:s31+$0xFFFFFFF0] =	vst v0  }
0x158: {  	[tilespmem:s31+$0x0] =	vst v0  }
0x159: {  	s1 =	sadd.s32 $0x40, s1;
	[tilespmem:s31+$0x10] =	vst v0  }
0x15a: {  	[tilespmem:s1+$0x10] =	vst v3  }
0x15b: {  	[tilespmem:s1+$0xFFFFFFE0] =	vst v1  }
.Ltmp32:
0x15c: {  	[tilespmem:s1+$0xFFFFFFF0] =	vst v2;
	(pc) =	sbr.rel @p1 .LBB2_36-.Ltmp32, $4  }
0x15d: {  	s0 =	sadd.s32 $0x40, s0;
	[tilespmem:s1+$0x0] =	vst v4  }
0x15e: {  	v1 =	vld [tilespmem:s0+$0xFFFFFFE0]  }
0x15f: {  	v2 =	vld [tilespmem:s0+$0xFFFFFFF0]  }
0x160: {  	s2 =	sadd.s32 $0xFFFFFFFF, s2;
	s31 =	sadd.s32 $0x40, s31;
	v3 =	vld [tilespmem:s0+$0x10]  }
.Ltmp33:
0x161: {  	_ = 	snop;
	(pc) =	sbr.rel .LBB2_37-.Ltmp33, $1  }
0x162: {  	_ =	sdelay $0x3  }
.LBB2_35:
.Ltmp34:
0x163: {  	(pc) =	sbr.rel .LBB2_37-.Ltmp34, $2  }
0x164: {  	_ =	sdelay $0x2  }
0x165: {  	s1 =	smov.u32 s30  }
.LBB2_40:
0x166: {  	_ =	sfence.sel $0x180000  }
0x167: {  	[bflag:$0x0] =	sbarrier.arrive $0xFFFF  }
0x168: {  	_ =	strace $0x90000047  }
0x169: {  	s0 =	stileid.u32;
	[bflag:$0x2] =	sbarrier.arrive $0xFFFF  }
0x16a: {  	p0 =	sne.s32 s0, $0x0;
	s0 =	rddreg [dreg:$0x2]  }
0x16b: {  	s0 =	sadd.s32 @!p0 $0x100000, s0  }
0x16c: {  	[sflag:s0] =	ssyncadd.tile.s32 @!p0 $0x1;
	_ =	shalt  }
.Lfunc_end2:
_tile_overlayer_lowered:
.L_overlay_start_2:
0x16d: {  	(tag) =	ssettag $0x2  }
0x16e: {  	s0 =	rddreg [dreg:$0x0];
	s2 =	stileid.u32  }
0x16f: {  	s1 =	rddreg [dreg:$0x1];
	p0 =	sne.s32 s2, $0x0  }
0x170: {  	s3 =	rddreg [dreg:$0x2];
	[bflag:$0x3] =	sbarrier.arrive $0xFFFF;
	s2 =	simm.s32 @!p0 $0x1C03  }
0x171: {  	[timem:s3], [sflag:s2] =	dma.local @!p0 [hbm:s0], s1  }
0x172: {  	s0 =	simm.s32 @!p0 $0x3  }
0x173: {  	_ =	swait.ge @!p0 [sflag:s0], s1  }
0x174: {  	s1 =	ssub.s32 @!p0 $0x0, s1;
	[sflag:s0] =	ssyncset.done @!p0 $0x0  }
0x175: {  	[sflag:s0] =	ssyncadd.s32 @!p0 s1  }
0x176: {  	[bflag:$0x3] =	sbarrier.arrive $0xFFFF  }
0x177: {  	_ =	shalt  }

</sc_bundles>
